<compile_context>
chip_gen: v7x
topology: tpu7x:2x2x1
jax: 0.10.2.dev20260603
libtpu: 0.0.44.dev20260713+nightly
codegen_flags: <defaults>
</compile_context>

<pallas_src>
import functools
import math

import jax
import jax.numpy as jnp
from jax import lax
from jax.experimental import pallas as pl
from jax.experimental.pallas import tpu as pltpu
from jax.experimental.pallas import tpu_sc as plsc

_EMBED = 128
_LANES = 16
_NC, _NS = 2, 16
_NW = _NC * _NS
_K = 128
_VPAD = 6272
_SLOTS = 4


@functools.cache
def _build(n_idx, vocab):
    per_w = n_idx // _NW
    nchunks = per_w // _K
    total_j = nchunks + _SLOTS
    stage_chunks = _VPAD // _K
    scale = jnp.float32(math.sqrt(_EMBED))
    mesh = plsc.VectorSubcoreMesh(
        core_axis_name="c", subcore_axis_name="s",
        num_cores=_NC, num_subcores=_NS)

    @functools.partial(
        pl.kernel,
        out_type=(
            jax.ShapeDtypeStruct((n_idx, _EMBED), jnp.float32),
            jax.ShapeDtypeStruct((_NC * _VPAD, _EMBED), jnp.float32),
        ),
        mesh=mesh,
        scratch_types=[
            pltpu.VMEM_SHARED((_VPAD, _EMBED), jnp.float32),
            [pltpu.VMEM((_K,), jnp.int32) for _ in range(_SLOTS)],
            [pltpu.VMEM((_K,), jnp.int32) for _ in range(_SLOTS)],
            [pltpu.VMEM((_K, _EMBED), jnp.float32) for _ in range(_SLOTS)],
            [pltpu.SemaphoreType.DMA for _ in range(_SLOTS)],
            [pltpu.SemaphoreType.DMA for _ in range(_SLOTS)],
            [pltpu.SemaphoreType.DMA for _ in range(_SLOTS)],
            [pltpu.SemaphoreType.DMA for _ in range(_SLOTS)],
        ],
    )
    def emb_kernel(x1_hbm, x2_hbm, lut_hbm, out_hbm, neg_hbm, table_sh,
                   idx1, idx2, rows, isem, g2sem, g1sem, osem):
        cid = lax.axis_index("c")
        sid = lax.axis_index("s")
        wid = sid * _NC + cid
        base = wid * per_w
        row0 = wid * nchunks
        neg_base = cid * _VPAD

        def stage(s, _):
            c0 = s * _NS + sid

            @pl.when(c0 < stage_chunks)
            def _():
                off = c0 * _K
                buf = rows[0]
                pltpu.sync_copy(lut_hbm.at[pl.ds(off, _K)], buf)

                @plsc.parallel_loop(0, _K, unroll=2)
                def _row(r):
                    for c in range(_EMBED // _LANES):
                        sl = pl.ds(c * _LANES, _LANES)
                        buf[r, sl] = buf[r, sl] * scale

                pltpu.sync_copy(buf, table_sh.at[pl.ds(off, _K)])

                @plsc.parallel_loop(0, _K, unroll=2)
                def _row(r):
                    for c in range(_EMBED // _LANES):
                        sl = pl.ds(c * _LANES, _LANES)
                        buf[r, sl] = -buf[r, sl]

                pltpu.sync_copy(buf, neg_hbm.at[pl.ds(neg_base + off, _K)])

            return 0

        lax.fori_loop(0, (stage_chunks + _NS - 1) // _NS, stage, 0)
        plsc.subcore_barrier()

        def istart(j, b):
            pltpu.async_copy(x1_hbm.at[row0 + j], idx1[b], isem[b])
            pltpu.async_copy(x2_hbm.at[row0 + j], idx2[b], isem[b])

        def iwait(b):
            pltpu.make_async_copy(x1_hbm.at[0], idx1[b], isem[b]).wait()
            pltpu.make_async_copy(x1_hbm.at[0], idx2[b], isem[b]).wait()
            @plsc.parallel_loop(0, _K // _LANES)
            def _v(v):
                sl = pl.ds(v * _LANES, _LANES)
                idx1[b][sl] = idx1[b][sl] + neg_base

        def g2start(b):
            pltpu.async_copy(table_sh.at[idx2[b]], rows[b], g2sem[b])

        def g2wait(b):
            pltpu.make_async_copy(table_sh.at[pl.ds(0, _K)], rows[b], g2sem[b]).wait()

        def g1start(b):
            pltpu.async_copy(neg_hbm.at[idx1[b]], rows[b], g1sem[b], add=True)

        def g1wait(b):
            pltpu.make_async_copy(neg_hbm.at[pl.ds(0, _K)], rows[b], g1sem[b]).wait()

        def ostart(j, b):
            pltpu.async_copy(rows[b], out_hbm.at[pl.ds(base + j * _K, _K)], osem[b])

        def owait(b):
            pltpu.make_async_copy(rows[b], out_hbm.at[pl.ds(0, _K)], osem[b]).wait()

        istart(0, 0)
        istart(1, 1)

        def outer(jo, _):
            for bb in range(_SLOTS):
                j = _SLOTS * jo + bb
                bm2 = (bb - 2) % _SLOTS
                bm1 = (bb - 1) % _SLOTS
                bp2 = (bb + 2) % _SLOTS

                @pl.when((j >= 2) & (j - 2 < nchunks))
                def _():
                    g1wait(bm2)
                    ostart(j - 2, bm2)

                @pl.when(j + 2 < nchunks)
                def _():
                    istart(j + 2, bp2)

                @pl.when(j < nchunks)
                def _():
                    @pl.when(j >= _SLOTS)
                    def _():
                        owait(bb)

                    iwait(bb)
                    g2start(bb)

                @pl.when((j >= 1) & (j - 1 < nchunks))
                def _():
                    g2wait(bm1)
                    g1start(bm1)

            return 0

        lax.fori_loop(0, total_j // _SLOTS, outer, 0)
        for bb in range(_SLOTS):
            owait(bb)

    return emb_kernel


def kernel(x1, x2, lut):
    b, t = x1.shape
    n_idx = b * t
    x1f = x1.reshape(n_idx // _K, _K).astype(jnp.int32)
    x2f = x2.reshape(n_idx // _K, _K).astype(jnp.int32)
    lut_pad = jnp.pad(lut, ((0, _VPAD - lut.shape[0]), (0, 0)))
    out, _ = _build(n_idx, lut.shape[0])(x1f, x2f, lut_pad)
    return out.reshape(b, t, _EMBED)

# --- scband reference (transcript-rebuilt; emitter-appended) ---
"""Pipeline reference for scband-indic-embeddings-12927851561060 (READ-ONLY COPY).

The authoritative reference and input builder live on the scoring server;
editing this copy changes nothing except your own understanding.
"""

import jax, jax.numpy as jnp
import numpy as np
import math

VOCAB = 6214
EMBED_DIM = 128

def setup_inputs(seed: int = 0) -> dict:
    key = jax.random.key(seed)
    k1, k2, k3 = jax.random.split(key, 3)
    x1 = jax.random.randint(k1, (4096, 200), 0, VOCAB, dtype=jnp.int64) if jax.config.jax_enable_x64 else jax.random.randint(k1, (4096, 200), 0, VOCAB).astype(jnp.int32)
    x2 = jax.random.randint(k2, (4096, 200), 0, VOCAB).astype(x1.dtype)
    lut = jax.random.normal(k3, (VOCAB, EMBED_DIM), dtype=jnp.float32)
    return {"x1": x1, "x2": x2, "lut": lut}

def reference(x1, x2, lut):
    scale = math.sqrt(EMBED_DIM)
    embedding1 = jnp.take(lut, x1, axis=0) * scale
    embedding2 = jnp.take(lut, x2, axis=0) * scale
    return embedding2 - embedding1

if __name__ == "__main__":
    import jax
    _d = setup_inputs()
    print(jax.jit(kernel)(*tuple(_d.values())))

</pallas_src>

<mosaic_0001>
#map = affine_map<(d0, d1) -> (0, 0)>
#map1 = affine_map<(d0, d1) -> (0)>
module attributes {stable_mosaic.version = 14 : i64} {
  func.func @_rewritten_body(%arg0: i32, %arg1: i32, %arg2: memref<6400x128xi32, #tpu.memory_space<hbm>>, %arg3: memref<6400x128xi32, #tpu.memory_space<hbm>>, %arg4: memref<6272x128xf32, #tpu.memory_space<hbm>>, %arg5: memref<1xf32, #tpu.memory_space<hbm>>, %arg6: memref<819200x128xf32, #tpu.memory_space<hbm>>, %arg7: memref<12544x128xf32, #tpu.memory_space<hbm>>, %arg8: memref<6272x128xf32, #tpu.memory_space<vmem_shared>>, %arg9: memref<128xi32, #tpu.memory_space<vmem>>, %arg10: memref<128xi32, #tpu.memory_space<vmem>>, %arg11: memref<128xi32, #tpu.memory_space<vmem>>, %arg12: memref<128xi32, #tpu.memory_space<vmem>>, %arg13: memref<128xi32, #tpu.memory_space<vmem>>, %arg14: memref<128xi32, #tpu.memory_space<vmem>>, %arg15: memref<128xi32, #tpu.memory_space<vmem>>, %arg16: memref<128xi32, #tpu.memory_space<vmem>>, %arg17: memref<128x128xf32, #tpu.memory_space<vmem>>, %arg18: memref<128x128xf32, #tpu.memory_space<vmem>>, %arg19: memref<128x128xf32, #tpu.memory_space<vmem>>, %arg20: memref<128x128xf32, #tpu.memory_space<vmem>>, %arg21: memref<!tpu.dma_semaphore, #tpu.memory_space<semaphore_mem>>, %arg22: memref<!tpu.dma_semaphore, #tpu.memory_space<semaphore_mem>>, %arg23: memref<!tpu.dma_semaphore, #tpu.memory_space<semaphore_mem>>, %arg24: memref<!tpu.dma_semaphore, #tpu.memory_space<semaphore_mem>>, %arg25: memref<!tpu.dma_semaphore, #tpu.memory_space<semaphore_mem>>, %arg26: memref<!tpu.dma_semaphore, #tpu.memory_space<semaphore_mem>>, %arg27: memref<!tpu.dma_semaphore, #tpu.memory_space<semaphore_mem>>, %arg28: memref<!tpu.dma_semaphore, #tpu.memory_space<semaphore_mem>>, %arg29: memref<!tpu.dma_semaphore, #tpu.memory_space<semaphore_mem>>, %arg30: memref<!tpu.dma_semaphore, #tpu.memory_space<semaphore_mem>>, %arg31: memref<!tpu.dma_semaphore, #tpu.memory_space<semaphore_mem>>, %arg32: memref<!tpu.dma_semaphore, #tpu.memory_space<semaphore_mem>>, %arg33: memref<!tpu.dma_semaphore, #tpu.memory_space<semaphore_mem>>, %arg34: memref<!tpu.dma_semaphore, #tpu.memory_space<semaphore_mem>>, %arg35: memref<!tpu.dma_semaphore, #tpu.memory_space<semaphore_mem>>, %arg36: memref<!tpu.dma_semaphore, #tpu.memory_space<semaphore_mem>>) attributes {dimension_semantics = [#tpu.dimension_semantics<core_parallel>, #tpu.dimension_semantics<subcore_parallel>], iteration_bounds = array<i64: 2, 16>, scalar_prefetch = 0 : i64, scratch_operands = 29 : i64, tpu.core_type = #tpu.core_type<sc_vector_subcore>, window_params = [{transform_indices = #map}, {transform_indices = #map}, {transform_indices = #map}, {transform_indices = #map1}, {transform_indices = #map}, {transform_indices = #map}]} {
    %empty_ref3A = memref.alloca() : memref<16xf32, #tpu.memory_space<vmem>>
    "tpu.region"() ({
      %run_scoped3A = tpu.sem_alloc : memref<!tpu.dma_semaphore, #tpu.memory_space<semaphore_mem>>
      %dma_start3A_76 = arith.constant 0 : i32
      %dma_start3A_77 = tpu.memref_slice %empty_ref3A[%dma_start3A_76] : memref<16xf32, #tpu.memory_space<vmem>> -> memref<1xf32, #tpu.memory_space<vmem>>
      %dma_start3A_78 = arith.constant 0 : i32
      %dma_start3A_79 = tpu.memref_slice %empty_ref3A[%dma_start3A_78] : memref<16xf32, #tpu.memory_space<vmem>> -> memref<1xf32, #tpu.memory_space<vmem>>
      tpu.enqueue_dma source(%arg5 : memref<1xf32, #tpu.memory_space<hbm>>) target(%dma_start3A_79 : memref<1xf32, #tpu.memory_space<vmem>>) target_semaphore(%run_scoped3A : memref<!tpu.dma_semaphore, #tpu.memory_space<semaphore_mem>>)
      %dma_wait3A_80 = arith.constant 0 : i32
      %dma_wait3A_81 = tpu.memref_slice %empty_ref3A[%dma_wait3A_80] : memref<16xf32, #tpu.memory_space<vmem>> -> memref<1xf32, #tpu.memory_space<vmem>>
      %dma_wait3A_82 = arith.constant 0 : i32
      %dma_wait3A_83 = tpu.memref_slice %empty_ref3A[%dma_wait3A_82] : memref<16xf32, #tpu.memory_space<vmem>> -> memref<1xf32, #tpu.memory_space<vmem>>
      tpu.wait_dma2 semaphore(%run_scoped3A : memref<!tpu.dma_semaphore, #tpu.memory_space<semaphore_mem>>) src(%arg5 : memref<1xf32, #tpu.memory_space<hbm>>) dst(%dma_wait3A_83 : memref<1xf32, #tpu.memory_space<vmem>>)
      tpu.yield
    }) : () -> ()
    %get3A = arith.constant 0 : index
    %get3A_0 = tpu.vector_load %empty_ref3A[%get3A] {strides = array<i32>} : memref<16xf32, #tpu.memory_space<vmem>>, vector<16xf32>,
    %get3A_1 = vector.shape_cast %get3A_0 : vector<16xf32> to vector<16xf32>
    %slice3A = vector.extract_strided_slice %get3A_1 {offsets = [0], sizes = [1], strides = [1]} : vector<16xf32> to vector<1xf32>
    %squeeze3A = vector.extract %slice3A[0] : f32 from vector<1xf32>
    %mul3A = arith.constant 2 : i32
    %mul3A_2 = arith.muli %arg1, %mul3A : i32
    %add3A = arith.addi %mul3A_2, %arg0 : i32
    %mul3A_3 = arith.constant 25600 : i32
    %mul3A_4 = arith.muli %add3A, %mul3A_3 : i32
    %mul3A_5 = arith.constant 200 : i32
    %mul3A_6 = arith.muli %add3A, %mul3A_5 : i32
    %mul3A_7 = arith.constant 6272 : i32
    %mul3A_8 = arith.muli %arg0, %mul3A_7 : i32
    %scan3A = arith.constant 0 : i32
    %scan3A_9 = arith.constant 0 : i32
    %scan3A_10 = arith.constant 4 : i32
    %scan3A_11 = arith.addi %scan3A_9, %scan3A_10 : i32
    %scan3A_12 = arith.constant 1 : i32
    %scan3A_13 = scf.for %scan3A_76 = %scan3A_9 to %scan3A_11 step %scan3A_12 iter_args(%scan3A_77 = %scan3A) -> (i32)  : i32 {
      %mul3A_78 = arith.constant 16 : i32
      %mul3A_79 = arith.muli %scan3A_76, %mul3A_78 : i32
      %add3A_80 = arith.addi %mul3A_79, %arg1 : i32
      %lt3A = arith.constant 49 : i32
      %lt3A_81 = arith.cmpi slt, %add3A_80, %lt3A : i32
      %convert_element_type3A = arith.extui %lt3A_81 : i1 to i32
      %cond3A = arith.constant 0 : i32
      %cond3A_82 = arith.cmpi ne, %convert_element_type3A, %cond3A : i32
      scf.if %cond3A_82 {
        %mul3A_84 = arith.constant 128 : i32
        %mul3A_85 = arith.muli %add3A_80, %mul3A_84 : i32
        "tpu.region"() ({
          %run_scoped3A = tpu.sem_alloc : memref<!tpu.dma_semaphore, #tpu.memory_space<semaphore_mem>>
          %dma_start3A_92 = arith.constant 0 : i32
          %dma_start3A_93 = tpu.memref_slice %arg4[%mul3A_85, %dma_start3A_92] : memref<6272x128xf32, #tpu.memory_space<hbm>> -> memref<128x128xf32, #tpu.memory_space<hbm>>
          %dma_start3A_94 = arith.constant 0 : i32
          %dma_start3A_95 = tpu.memref_slice %arg4[%mul3A_85, %dma_start3A_94] : memref<6272x128xf32, #tpu.memory_space<hbm>> -> memref<128x128xf32, #tpu.memory_space<hbm>>
          tpu.enqueue_dma source(%dma_start3A_95 : memref<128x128xf32, #tpu.memory_space<hbm>>) target(%arg17 : memref<128x128xf32, #tpu.memory_space<vmem>>) target_semaphore(%run_scoped3A : memref<!tpu.dma_semaphore, #tpu.memory_space<semaphore_mem>>)
          %dma_wait3A_96 = arith.constant 0 : i32
          %dma_wait3A_97 = tpu.memref_slice %arg4[%mul3A_85, %dma_wait3A_96] : memref<6272x128xf32, #tpu.memory_space<hbm>> -> memref<128x128xf32, #tpu.memory_space<hbm>>
          %dma_wait3A_98 = arith.constant 0 : i32
          %dma_wait3A_99 = tpu.memref_slice %arg4[%mul3A_85, %dma_wait3A_98] : memref<6272x128xf32, #tpu.memory_space<hbm>> -> memref<128x128xf32, #tpu.memory_space<hbm>>
          tpu.wait_dma2 semaphore(%run_scoped3A : memref<!tpu.dma_semaphore, #tpu.memory_space<semaphore_mem>>) src(%dma_wait3A_99 : memref<128x128xf32, #tpu.memory_space<hbm>>) dst(%arg17 : memref<128x128xf32, #tpu.memory_space<vmem>>)
          tpu.yield
        }) : () -> ()
        %parallel_loop3A = arith.constant 0 : i32
        %parallel_loop3A_86 = arith.constant 128 : i32
        %parallel_loop3A_87 = arith.constant 1 : i32
        scf.for %parallel_loop3A_92 = %parallel_loop3A to %parallel_loop3A_86 step %parallel_loop3A_87  : i32 {
          %parallel_loop3A_93 = arith.index_cast %parallel_loop3A_92 : i32 to index
          %parallel_loop3A_94 = arith.constant 0 : index
          %parallel_loop3A_95 = tpu.vector_load %arg17[%parallel_loop3A_93, %parallel_loop3A_94] {strides = array<i32>} : memref<128x128xf32, #tpu.memory_space<vmem>>, vector<1x16xf32>,
          %parallel_loop3A_96 = vector.shape_cast %parallel_loop3A_95 : vector<1x16xf32> to vector<16xf32>
          %parallel_loop3A_97 = vector.broadcast %squeeze3A : f32 to vector<16xf32>
          %parallel_loop3A_98 = arith.mulf %parallel_loop3A_96, %parallel_loop3A_97 : vector<16xf32>
          %parallel_loop3A_99 = arith.index_cast %parallel_loop3A_92 : i32 to index
          %parallel_loop3A_100 = arith.constant 0 : index
          %parallel_loop3A_101 = tpu.vector_load %arg17[%parallel_loop3A_99, %parallel_loop3A_100] {strides = array<i32>} : memref<128x128xf32, #tpu.memory_space<vmem>>, vector<1x16xf32>,
          %parallel_loop3A_102 = vector.shape_cast %parallel_loop3A_101 : vector<1x16xf32> to vector<16xf32>
          %parallel_loop3A_103 = vector.shape_cast %parallel_loop3A_98 : vector<16xf32> to vector<1x16xf32>
          tpu.vector_store %arg17[%parallel_loop3A_99, %parallel_loop3A_100], %parallel_loop3A_103 {strides = array<i32>} : memref<128x128xf32, #tpu.memory_space<vmem>>, vector<1x16xf32>,
          %parallel_loop3A_104 = arith.index_cast %parallel_loop3A_92 : i32 to index
          %parallel_loop3A_105 = arith.constant 16 : index
          %parallel_loop3A_106 = tpu.vector_load %arg17[%parallel_loop3A_104, %parallel_loop3A_105] {strides = array<i32>} : memref<128x128xf32, #tpu.memory_space<vmem>>, vector<1x16xf32>,
          %parallel_loop3A_107 = vector.shape_cast %parallel_loop3A_106 : vector<1x16xf32> to vector<16xf32>
          %parallel_loop3A_108 = vector.broadcast %squeeze3A : f32 to vector<16xf32>
          %parallel_loop3A_109 = arith.mulf %parallel_loop3A_107, %parallel_loop3A_108 : vector<16xf32>
          %parallel_loop3A_110 = arith.index_cast %parallel_loop3A_92 : i32 to index
          %parallel_loop3A_111 = arith.constant 16 : index
          %parallel_loop3A_112 = tpu.vector_load %arg17[%parallel_loop3A_110, %parallel_loop3A_111] {strides = array<i32>} : memref<128x128xf32, #tpu.memory_space<vmem>>, vector<1x16xf32>,
          %parallel_loop3A_113 = vector.shape_cast %parallel_loop3A_112 : vector<1x16xf32> to vector<16xf32>
          %parallel_loop3A_114 = vector.shape_cast %parallel_loop3A_109 : vector<16xf32> to vector<1x16xf32>
          tpu.vector_store %arg17[%parallel_loop3A_110, %parallel_loop3A_111], %parallel_loop3A_114 {strides = array<i32>} : memref<128x128xf32, #tpu.memory_space<vmem>>, vector<1x16xf32>,
          %parallel_loop3A_115 = arith.index_cast %parallel_loop3A_92 : i32 to index
          %parallel_loop3A_116 = arith.constant 32 : index
          %parallel_loop3A_117 = tpu.vector_load %arg17[%parallel_loop3A_115, %parallel_loop3A_116] {strides = array<i32>} : memref<128x128xf32, #tpu.memory_space<vmem>>, vector<1x16xf32>,
          %parallel_loop3A_118 = vector.shape_cast %parallel_loop3A_117 : vector<1x16xf32> to vector<16xf32>
          %parallel_loop3A_119 = vector.broadcast %squeeze3A : f32 to vector<16xf32>
          %parallel_loop3A_120 = arith.mulf %parallel_loop3A_118, %parallel_loop3A_119 : vector<16xf32>
          %parallel_loop3A_121 = arith.index_cast %parallel_loop3A_92 : i32 to index
          %parallel_loop3A_122 = arith.constant 32 : index
          %parallel_loop3A_123 = tpu.vector_load %arg17[%parallel_loop3A_121, %parallel_loop3A_122] {strides = array<i32>} : memref<128x128xf32, #tpu.memory_space<vmem>>, vector<1x16xf32>,
          %parallel_loop3A_124 = vector.shape_cast %parallel_loop3A_123 : vector<1x16xf32> to vector<16xf32>
          %parallel_loop3A_125 = vector.shape_cast %parallel_loop3A_120 : vector<16xf32> to vector<1x16xf32>
          tpu.vector_store %arg17[%parallel_loop3A_121, %parallel_loop3A_122], %parallel_loop3A_125 {strides = array<i32>} : memref<128x128xf32, #tpu.memory_space<vmem>>, vector<1x16xf32>,
          %parallel_loop3A_126 = arith.index_cast %parallel_loop3A_92 : i32 to index
          %parallel_loop3A_127 = arith.constant 48 : index
          %parallel_loop3A_128 = tpu.vector_load %arg17[%parallel_loop3A_126, %parallel_loop3A_127] {strides = array<i32>} : memref<128x128xf32, #tpu.memory_space<vmem>>, vector<1x16xf32>,
          %parallel_loop3A_129 = vector.shape_cast %parallel_loop3A_128 : vector<1x16xf32> to vector<16xf32>
          %parallel_loop3A_130 = vector.broadcast %squeeze3A : f32 to vector<16xf32>
          %parallel_loop3A_131 = arith.mulf %parallel_loop3A_129, %parallel_loop3A_130 : vector<16xf32>
          %parallel_loop3A_132 = arith.index_cast %parallel_loop3A_92 : i32 to index
          %parallel_loop3A_133 = arith.constant 48 : index
          %parallel_loop3A_134 = tpu.vector_load %arg17[%parallel_loop3A_132, %parallel_loop3A_133] {strides = array<i32>} : memref<128x128xf32, #tpu.memory_space<vmem>>, vector<1x16xf32>,
          %parallel_loop3A_135 = vector.shape_cast %parallel_loop3A_134 : vector<1x16xf32> to vector<16xf32>
          %parallel_loop3A_136 = vector.shape_cast %parallel_loop3A_131 : vector<16xf32> to vector<1x16xf32>
          tpu.vector_store %arg17[%parallel_loop3A_132, %parallel_loop3A_133], %parallel_loop3A_136 {strides = array<i32>} : memref<128x128xf32, #tpu.memory_space<vmem>>, vector<1x16xf32>,
          %parallel_loop3A_137 = arith.index_cast %parallel_loop3A_92 : i32 to index
          %parallel_loop3A_138 = arith.constant 64 : index
          %parallel_loop3A_139 = tpu.vector_load %arg17[%parallel_loop3A_137, %parallel_loop3A_138] {strides = array<i32>} : memref<128x128xf32, #tpu.memory_space<vmem>>, vector<1x16xf32>,
          %parallel_loop3A_140 = vector.shape_cast %parallel_loop3A_139 : vector<1x16xf32> to vector<16xf32>
          %parallel_loop3A_141 = vector.broadcast %squeeze3A : f32 to vector<16xf32>
          %parallel_loop3A_142 = arith.mulf %parallel_loop3A_140, %parallel_loop3A_141 : vector<16xf32>
          %parallel_loop3A_143 = arith.index_cast %parallel_loop3A_92 : i32 to index
          %parallel_loop3A_144 = arith.constant 64 : index
          %parallel_loop3A_145 = tpu.vector_load %arg17[%parallel_loop3A_143, %parallel_loop3A_144] {strides = array<i32>} : memref<128x128xf32, #tpu.memory_space<vmem>>, vector<1x16xf32>,
          %parallel_loop3A_146 = vector.shape_cast %parallel_loop3A_145 : vector<1x16xf32> to vector<16xf32>
          %parallel_loop3A_147 = vector.shape_cast %parallel_loop3A_142 : vector<16xf32> to vector<1x16xf32>
          tpu.vector_store %arg17[%parallel_loop3A_143, %parallel_loop3A_144], %parallel_loop3A_147 {strides = array<i32>} : memref<128x128xf32, #tpu.memory_space<vmem>>, vector<1x16xf32>,
          %parallel_loop3A_148 = arith.index_cast %parallel_loop3A_92 : i32 to index
          %parallel_loop3A_149 = arith.constant 80 : index
          %parallel_loop3A_150 = tpu.vector_load %arg17[%parallel_loop3A_148, %parallel_loop3A_149] {strides = array<i32>} : memref<128x128xf32, #tpu.memory_space<vmem>>, vector<1x16xf32>,
          %parallel_loop3A_151 = vector.shape_cast %parallel_loop3A_150 : vector<1x16xf32> to vector<16xf32>
          %parallel_loop3A_152 = vector.broadcast %squeeze3A : f32 to vector<16xf32>
          %parallel_loop3A_153 = arith.mulf %parallel_loop3A_151, %parallel_loop3A_152 : vector<16xf32>
          %parallel_loop3A_154 = arith.index_cast %parallel_loop3A_92 : i32 to index
          %parallel_loop3A_155 = arith.constant 80 : index
          %parallel_loop3A_156 = tpu.vector_load %arg17[%parallel_loop3A_154, %parallel_loop3A_155] {strides = array<i32>} : memref<128x128xf32, #tpu.memory_space<vmem>>, vector<1x16xf32>,
          %parallel_loop3A_157 = vector.shape_cast %parallel_loop3A_156 : vector<1x16xf32> to vector<16xf32>
          %parallel_loop3A_158 = vector.shape_cast %parallel_loop3A_153 : vector<16xf32> to vector<1x16xf32>
          tpu.vector_store %arg17[%parallel_loop3A_154, %parallel_loop3A_155], %parallel_loop3A_158 {strides = array<i32>} : memref<128x128xf32, #tpu.memory_space<vmem>>, vector<1x16xf32>,
          %parallel_loop3A_159 = arith.index_cast %parallel_loop3A_92 : i32 to index
          %parallel_loop3A_160 = arith.constant 96 : index
          %parallel_loop3A_161 = tpu.vector_load %arg17[%parallel_loop3A_159, %parallel_loop3A_160] {strides = array<i32>} : memref<128x128xf32, #tpu.memory_space<vmem>>, vector<1x16xf32>,
          %parallel_loop3A_162 = vector.shape_cast %parallel_loop3A_161 : vector<1x16xf32> to vector<16xf32>
          %parallel_loop3A_163 = vector.broadcast %squeeze3A : f32 to vector<16xf32>
          %parallel_loop3A_164 = arith.mulf %parallel_loop3A_162, %parallel_loop3A_163 : vector<16xf32>
          %parallel_loop3A_165 = arith.index_cast %parallel_loop3A_92 : i32 to index
          %parallel_loop3A_166 = arith.constant 96 : index
          %parallel_loop3A_167 = tpu.vector_load %arg17[%parallel_loop3A_165, %parallel_loop3A_166] {strides = array<i32>} : memref<128x128xf32, #tpu.memory_space<vmem>>, vector<1x16xf32>,
          %parallel_loop3A_168 = vector.shape_cast %parallel_loop3A_167 : vector<1x16xf32> to vector<16xf32>
          %parallel_loop3A_169 = vector.shape_cast %parallel_loop3A_164 : vector<16xf32> to vector<1x16xf32>
          tpu.vector_store %arg17[%parallel_loop3A_165, %parallel_loop3A_166], %parallel_loop3A_169 {strides = array<i32>} : memref<128x128xf32, #tpu.memory_space<vmem>>, vector<1x16xf32>,
          %parallel_loop3A_170 = arith.index_cast %parallel_loop3A_92 : i32 to index
          %parallel_loop3A_171 = arith.constant 112 : index
          %parallel_loop3A_172 = tpu.vector_load %arg17[%parallel_loop3A_170, %parallel_loop3A_171] {strides = array<i32>} : memref<128x128xf32, #tpu.memory_space<vmem>>, vector<1x16xf32>,
          %parallel_loop3A_173 = vector.shape_cast %parallel_loop3A_172 : vector<1x16xf32> to vector<16xf32>
          %parallel_loop3A_174 = vector.broadcast %squeeze3A : f32 to vector<16xf32>
          %parallel_loop3A_175 = arith.mulf %parallel_loop3A_173, %parallel_loop3A_174 : vector<16xf32>
          %parallel_loop3A_176 = arith.index_cast %parallel_loop3A_92 : i32 to index
          %parallel_loop3A_177 = arith.constant 112 : index
          %parallel_loop3A_178 = tpu.vector_load %arg17[%parallel_loop3A_176, %parallel_loop3A_177] {strides = array<i32>} : memref<128x128xf32, #tpu.memory_space<vmem>>, vector<1x16xf32>,
          %parallel_loop3A_179 = vector.shape_cast %parallel_loop3A_178 : vector<1x16xf32> to vector<16xf32>
          %parallel_loop3A_180 = vector.shape_cast %parallel_loop3A_175 : vector<16xf32> to vector<1x16xf32>
          tpu.vector_store %arg17[%parallel_loop3A_176, %parallel_loop3A_177], %parallel_loop3A_180 {strides = array<i32>} : memref<128x128xf32, #tpu.memory_space<vmem>>, vector<1x16xf32>,
        } {sc.loop_unroll_factor = 2 : i64, sc.parallel_access}
        "tpu.region"() ({
          %run_scoped3A = tpu.sem_alloc : memref<!tpu.dma_semaphore, #tpu.memory_space<semaphore_mem>>
          %dma_start3A_92 = arith.constant 0 : i32
          %dma_start3A_93 = tpu.memref_slice %arg8[%mul3A_85, %dma_start3A_92] : memref<6272x128xf32, #tpu.memory_space<vmem_shared>> -> memref<128x128xf32, #tpu.memory_space<vmem_shared>>
          %dma_start3A_94 = arith.constant 0 : i32
          %dma_start3A_95 = tpu.memref_slice %arg8[%mul3A_85, %dma_start3A_94] : memref<6272x128xf32, #tpu.memory_space<vmem_shared>> -> memref<128x128xf32, #tpu.memory_space<vmem_shared>>
          tpu.enqueue_dma source(%arg17 : memref<128x128xf32, #tpu.memory_space<vmem>>) target(%dma_start3A_95 : memref<128x128xf32, #tpu.memory_space<vmem_shared>>) target_semaphore(%run_scoped3A : memref<!tpu.dma_semaphore, #tpu.memory_space<semaphore_mem>>)
          %dma_wait3A_96 = arith.constant 0 : i32
          %dma_wait3A_97 = tpu.memref_slice %arg8[%mul3A_85, %dma_wait3A_96] : memref<6272x128xf32, #tpu.memory_space<vmem_shared>> -> memref<128x128xf32, #tpu.memory_space<vmem_shared>>
          %dma_wait3A_98 = arith.constant 0 : i32
          %dma_wait3A_99 = tpu.memref_slice %arg8[%mul3A_85, %dma_wait3A_98] : memref<6272x128xf32, #tpu.memory_space<vmem_shared>> -> memref<128x128xf32, #tpu.memory_space<vmem_shared>>
          tpu.wait_dma2 semaphore(%run_scoped3A : memref<!tpu.dma_semaphore, #tpu.memory_space<semaphore_mem>>) src(%arg17 : memref<128x128xf32, #tpu.memory_space<vmem>>) dst(%dma_wait3A_99 : memref<128x128xf32, #tpu.memory_space<vmem_shared>>)
          tpu.yield
        }) : () -> ()
        %parallel_loop3A_88 = arith.constant 0 : i32
        %parallel_loop3A_89 = arith.constant 128 : i32
        %parallel_loop3A_90 = arith.constant 1 : i32
        scf.for %parallel_loop3A_92 = %parallel_loop3A_88 to %parallel_loop3A_89 step %parallel_loop3A_90  : i32 {
          %parallel_loop3A_93 = arith.index_cast %parallel_loop3A_92 : i32 to index
          %parallel_loop3A_94 = arith.constant 0 : index
          %parallel_loop3A_95 = tpu.vector_load %arg17[%parallel_loop3A_93, %parallel_loop3A_94] {strides = array<i32>} : memref<128x128xf32, #tpu.memory_space<vmem>>, vector<1x16xf32>,
          %parallel_loop3A_96 = vector.shape_cast %parallel_loop3A_95 : vector<1x16xf32> to vector<16xf32>
          %parallel_loop3A_97 = arith.constant 0.000000e+00 : f32
          %parallel_loop3A_98 = vector.broadcast %parallel_loop3A_97 : f32 to vector<16xf32>
          %parallel_loop3A_99 = arith.subf %parallel_loop3A_98, %parallel_loop3A_96 : vector<16xf32>
          %parallel_loop3A_100 = arith.index_cast %parallel_loop3A_92 : i32 to index
          %parallel_loop3A_101 = arith.constant 0 : index
          %parallel_loop3A_102 = tpu.vector_load %arg17[%parallel_loop3A_100, %parallel_loop3A_101] {strides = array<i32>} : memref<128x128xf32, #tpu.memory_space<vmem>>, vector<1x16xf32>,
          %parallel_loop3A_103 = vector.shape_cast %parallel_loop3A_102 : vector<1x16xf32> to vector<16xf32>
          %parallel_loop3A_104 = vector.shape_cast %parallel_loop3A_99 : vector<16xf32> to vector<1x16xf32>
          tpu.vector_store %arg17[%parallel_loop3A_100, %parallel_loop3A_101], %parallel_loop3A_104 {strides = array<i32>} : memref<128x128xf32, #tpu.memory_space<vmem>>, vector<1x16xf32>,
          %parallel_loop3A_105 = arith.index_cast %parallel_loop3A_92 : i32 to index
          %parallel_loop3A_106 = arith.constant 16 : index
          %parallel_loop3A_107 = tpu.vector_load %arg17[%parallel_loop3A_105, %parallel_loop3A_106] {strides = array<i32>} : memref<128x128xf32, #tpu.memory_space<vmem>>, vector<1x16xf32>,
          %parallel_loop3A_108 = vector.shape_cast %parallel_loop3A_107 : vector<1x16xf32> to vector<16xf32>
          %parallel_loop3A_109 = arith.constant 0.000000e+00 : f32
          %parallel_loop3A_110 = vector.broadcast %parallel_loop3A_109 : f32 to vector<16xf32>
          %parallel_loop3A_111 = arith.subf %parallel_loop3A_110, %parallel_loop3A_108 : vector<16xf32>
          %parallel_loop3A_112 = arith.index_cast %parallel_loop3A_92 : i32 to index
          %parallel_loop3A_113 = arith.constant 16 : index
          %parallel_loop3A_114 = tpu.vector_load %arg17[%parallel_loop3A_112, %parallel_loop3A_113] {strides = array<i32>} : memref<128x128xf32, #tpu.memory_space<vmem>>, vector<1x16xf32>,
          %parallel_loop3A_115 = vector.shape_cast %parallel_loop3A_114 : vector<1x16xf32> to vector<16xf32>
          %parallel_loop3A_116 = vector.shape_cast %parallel_loop3A_111 : vector<16xf32> to vector<1x16xf32>
          tpu.vector_store %arg17[%parallel_loop3A_112, %parallel_loop3A_113], %parallel_loop3A_116 {strides = array<i32>} : memref<128x128xf32, #tpu.memory_space<vmem>>, vector<1x16xf32>,
          %parallel_loop3A_117 = arith.index_cast %parallel_loop3A_92 : i32 to index
          %parallel_loop3A_118 = arith.constant 32 : index
          %parallel_loop3A_119 = tpu.vector_load %arg17[%parallel_loop3A_117, %parallel_loop3A_118] {strides = array<i32>} : memref<128x128xf32, #tpu.memory_space<vmem>>, vector<1x16xf32>,
          %parallel_loop3A_120 = vector.shape_cast %parallel_loop3A_119 : vector<1x16xf32> to vector<16xf32>
          %parallel_loop3A_121 = arith.constant 0.000000e+00 : f32
          %parallel_loop3A_122 = vector.broadcast %parallel_loop3A_121 : f32 to vector<16xf32>
          %parallel_loop3A_123 = arith.subf %parallel_loop3A_122, %parallel_loop3A_120 : vector<16xf32>
          %parallel_loop3A_124 = arith.index_cast %parallel_loop3A_92 : i32 to index
          %parallel_loop3A_125 = arith.constant 32 : index
          %parallel_loop3A_126 = tpu.vector_load %arg17[%parallel_loop3A_124, %parallel_loop3A_125] {strides = array<i32>} : memref<128x128xf32, #tpu.memory_space<vmem>>, vector<1x16xf32>,
          %parallel_loop3A_127 = vector.shape_cast %parallel_loop3A_126 : vector<1x16xf32> to vector<16xf32>
          %parallel_loop3A_128 = vector.shape_cast %parallel_loop3A_123 : vector<16xf32> to vector<1x16xf32>
          tpu.vector_store %arg17[%parallel_loop3A_124, %parallel_loop3A_125], %parallel_loop3A_128 {strides = array<i32>} : memref<128x128xf32, #tpu.memory_space<vmem>>, vector<1x16xf32>,
          %parallel_loop3A_129 = arith.index_cast %parallel_loop3A_92 : i32 to index
          %parallel_loop3A_130 = arith.constant 48 : index
          %parallel_loop3A_131 = tpu.vector_load %arg17[%parallel_loop3A_129, %parallel_loop3A_130] {strides = array<i32>} : memref<128x128xf32, #tpu.memory_space<vmem>>, vector<1x16xf32>,
          %parallel_loop3A_132 = vector.shape_cast %parallel_loop3A_131 : vector<1x16xf32> to vector<16xf32>
          %parallel_loop3A_133 = arith.constant 0.000000e+00 : f32
          %parallel_loop3A_134 = vector.broadcast %parallel_loop3A_133 : f32 to vector<16xf32>
          %parallel_loop3A_135 = arith.subf %parallel_loop3A_134, %parallel_loop3A_132 : vector<16xf32>
          %parallel_loop3A_136 = arith.index_cast %parallel_loop3A_92 : i32 to index
          %parallel_loop3A_137 = arith.constant 48 : index
          %parallel_loop3A_138 = tpu.vector_load %arg17[%parallel_loop3A_136, %parallel_loop3A_137] {strides = array<i32>} : memref<128x128xf32, #tpu.memory_space<vmem>>, vector<1x16xf32>,
          %parallel_loop3A_139 = vector.shape_cast %parallel_loop3A_138 : vector<1x16xf32> to vector<16xf32>
          %parallel_loop3A_140 = vector.shape_cast %parallel_loop3A_135 : vector<16xf32> to vector<1x16xf32>
          tpu.vector_store %arg17[%parallel_loop3A_136, %parallel_loop3A_137], %parallel_loop3A_140 {strides = array<i32>} : memref<128x128xf32, #tpu.memory_space<vmem>>, vector<1x16xf32>,
          %parallel_loop3A_141 = arith.index_cast %parallel_loop3A_92 : i32 to index
          %parallel_loop3A_142 = arith.constant 64 : index
          %parallel_loop3A_143 = tpu.vector_load %arg17[%parallel_loop3A_141, %parallel_loop3A_142] {strides = array<i32>} : memref<128x128xf32, #tpu.memory_space<vmem>>, vector<1x16xf32>,
          %parallel_loop3A_144 = vector.shape_cast %parallel_loop3A_143 : vector<1x16xf32> to vector<16xf32>
          %parallel_loop3A_145 = arith.constant 0.000000e+00 : f32
          %parallel_loop3A_146 = vector.broadcast %parallel_loop3A_145 : f32 to vector<16xf32>
          %parallel_loop3A_147 = arith.subf %parallel_loop3A_146, %parallel_loop3A_144 : vector<16xf32>
          %parallel_loop3A_148 = arith.index_cast %parallel_loop3A_92 : i32 to index
          %parallel_loop3A_149 = arith.constant 64 : index
          %parallel_loop3A_150 = tpu.vector_load %arg17[%parallel_loop3A_148, %parallel_loop3A_149] {strides = array<i32>} : memref<128x128xf32, #tpu.memory_space<vmem>>, vector<1x16xf32>,
          %parallel_loop3A_151 = vector.shape_cast %parallel_loop3A_150 : vector<1x16xf32> to vector<16xf32>
          %parallel_loop3A_152 = vector.shape_cast %parallel_loop3A_147 : vector<16xf32> to vector<1x16xf32>
          tpu.vector_store %arg17[%parallel_loop3A_148, %parallel_loop3A_149], %parallel_loop3A_152 {strides = array<i32>} : memref<128x128xf32, #tpu.memory_space<vmem>>, vector<1x16xf32>,
          %parallel_loop3A_153 = arith.index_cast %parallel_loop3A_92 : i32 to index
          %parallel_loop3A_154 = arith.constant 80 : index
          %parallel_loop3A_155 = tpu.vector_load %arg17[%parallel_loop3A_153, %parallel_loop3A_154] {strides = array<i32>} : memref<128x128xf32, #tpu.memory_space<vmem>>, vector<1x16xf32>,
          %parallel_loop3A_156 = vector.shape_cast %parallel_loop3A_155 : vector<1x16xf32> to vector<16xf32>
          %parallel_loop3A_157 = arith.constant 0.000000e+00 : f32
          %parallel_loop3A_158 = vector.broadcast %parallel_loop3A_157 : f32 to vector<16xf32>
          %parallel_loop3A_159 = arith.subf %parallel_loop3A_158, %parallel_loop3A_156 : vector<16xf32>
          %parallel_loop3A_160 = arith.index_cast %parallel_loop3A_92 : i32 to index
          %parallel_loop3A_161 = arith.constant 80 : index
          %parallel_loop3A_162 = tpu.vector_load %arg17[%parallel_loop3A_160, %parallel_loop3A_161] {strides = array<i32>} : memref<128x128xf32, #tpu.memory_space<vmem>>, vector<1x16xf32>,
          %parallel_loop3A_163 = vector.shape_cast %parallel_loop3A_162 : vector<1x16xf32> to vector<16xf32>
          %parallel_loop3A_164 = vector.shape_cast %parallel_loop3A_159 : vector<16xf32> to vector<1x16xf32>
          tpu.vector_store %arg17[%parallel_loop3A_160, %parallel_loop3A_161], %parallel_loop3A_164 {strides = array<i32>} : memref<128x128xf32, #tpu.memory_space<vmem>>, vector<1x16xf32>,
          %parallel_loop3A_165 = arith.index_cast %parallel_loop3A_92 : i32 to index
          %parallel_loop3A_166 = arith.constant 96 : index
          %parallel_loop3A_167 = tpu.vector_load %arg17[%parallel_loop3A_165, %parallel_loop3A_166] {strides = array<i32>} : memref<128x128xf32, #tpu.memory_space<vmem>>, vector<1x16xf32>,
          %parallel_loop3A_168 = vector.shape_cast %parallel_loop3A_167 : vector<1x16xf32> to vector<16xf32>
          %parallel_loop3A_169 = arith.constant 0.000000e+00 : f32
          %parallel_loop3A_170 = vector.broadcast %parallel_loop3A_169 : f32 to vector<16xf32>
          %parallel_loop3A_171 = arith.subf %parallel_loop3A_170, %parallel_loop3A_168 : vector<16xf32>
          %parallel_loop3A_172 = arith.index_cast %parallel_loop3A_92 : i32 to index
          %parallel_loop3A_173 = arith.constant 96 : index
          %parallel_loop3A_174 = tpu.vector_load %arg17[%parallel_loop3A_172, %parallel_loop3A_173] {strides = array<i32>} : memref<128x128xf32, #tpu.memory_space<vmem>>, vector<1x16xf32>,
          %parallel_loop3A_175 = vector.shape_cast %parallel_loop3A_174 : vector<1x16xf32> to vector<16xf32>
          %parallel_loop3A_176 = vector.shape_cast %parallel_loop3A_171 : vector<16xf32> to vector<1x16xf32>
          tpu.vector_store %arg17[%parallel_loop3A_172, %parallel_loop3A_173], %parallel_loop3A_176 {strides = array<i32>} : memref<128x128xf32, #tpu.memory_space<vmem>>, vector<1x16xf32>,
          %parallel_loop3A_177 = arith.index_cast %parallel_loop3A_92 : i32 to index
          %parallel_loop3A_178 = arith.constant 112 : index
          %parallel_loop3A_179 = tpu.vector_load %arg17[%parallel_loop3A_177, %parallel_loop3A_178] {strides = array<i32>} : memref<128x128xf32, #tpu.memory_space<vmem>>, vector<1x16xf32>,
          %parallel_loop3A_180 = vector.shape_cast %parallel_loop3A_179 : vector<1x16xf32> to vector<16xf32>
          %parallel_loop3A_181 = arith.constant 0.000000e+00 : f32
          %parallel_loop3A_182 = vector.broadcast %parallel_loop3A_181 : f32 to vector<16xf32>
          %parallel_loop3A_183 = arith.subf %parallel_loop3A_182, %parallel_loop3A_180 : vector<16xf32>
          %parallel_loop3A_184 = arith.index_cast %parallel_loop3A_92 : i32 to index
          %parallel_loop3A_185 = arith.constant 112 : index
          %parallel_loop3A_186 = tpu.vector_load %arg17[%parallel_loop3A_184, %parallel_loop3A_185] {strides = array<i32>} : memref<128x128xf32, #tpu.memory_space<vmem>>, vector<1x16xf32>,
          %parallel_loop3A_187 = vector.shape_cast %parallel_loop3A_186 : vector<1x16xf32> to vector<16xf32>
          %parallel_loop3A_188 = vector.shape_cast %parallel_loop3A_183 : vector<16xf32> to vector<1x16xf32>
          tpu.vector_store %arg17[%parallel_loop3A_184, %parallel_loop3A_185], %parallel_loop3A_188 {strides = array<i32>} : memref<128x128xf32, #tpu.memory_space<vmem>>, vector<1x16xf32>,
        } {sc.loop_unroll_factor = 2 : i64, sc.parallel_access}
        %add3A_91 = arith.addi %mul3A_8, %mul3A_85 : i32
        "tpu.region"() ({
          %run_scoped3A = tpu.sem_alloc : memref<!tpu.dma_semaphore, #tpu.memory_space<semaphore_mem>>
          %dma_start3A_92 = arith.constant 0 : i32
          %dma_start3A_93 = tpu.memref_slice %arg7[%add3A_91, %dma_start3A_92] : memref<12544x128xf32, #tpu.memory_space<hbm>> -> memref<128x128xf32, #tpu.memory_space<hbm>>
          %dma_start3A_94 = arith.constant 0 : i32
          %dma_start3A_95 = tpu.memref_slice %arg7[%add3A_91, %dma_start3A_94] : memref<12544x128xf32, #tpu.memory_space<hbm>> -> memref<128x128xf32, #tpu.memory_space<hbm>>
          tpu.enqueue_dma source(%arg17 : memref<128x128xf32, #tpu.memory_space<vmem>>) target(%dma_start3A_95 : memref<128x128xf32, #tpu.memory_space<hbm>>) target_semaphore(%run_scoped3A : memref<!tpu.dma_semaphore, #tpu.memory_space<semaphore_mem>>)
          %dma_wait3A_96 = arith.constant 0 : i32
          %dma_wait3A_97 = tpu.memref_slice %arg7[%add3A_91, %dma_wait3A_96] : memref<12544x128xf32, #tpu.memory_space<hbm>> -> memref<128x128xf32, #tpu.memory_space<hbm>>
          %dma_wait3A_98 = arith.constant 0 : i32
          %dma_wait3A_99 = tpu.memref_slice %arg7[%add3A_91, %dma_wait3A_98] : memref<12544x128xf32, #tpu.memory_space<hbm>> -> memref<128x128xf32, #tpu.memory_space<hbm>>
          tpu.wait_dma2 semaphore(%run_scoped3A : memref<!tpu.dma_semaphore, #tpu.memory_space<semaphore_mem>>) src(%arg17 : memref<128x128xf32, #tpu.memory_space<vmem>>) dst(%dma_wait3A_99 : memref<128x128xf32, #tpu.memory_space<hbm>>)
          tpu.yield
        }) : () -> ()
      } else {
      }
      %scan3A_83 = arith.constant 0 : i32
      scf.yield %scan3A_83 : i32
    }
    %scan3A_14 = arith.constant 4 : i32
    %barrier3A = arith.constant 0 : index
    tpu.barrier barrier_id(%barrier3A)
    %add3A_15 = arith.constant 0 : i32
    %add3A_16 = arith.addi %mul3A_6, %add3A_15 : i32
    %dma_start3A = arith.constant 0 : i32
    %dma_start3A_17 = tpu.memref_slice %arg2[%add3A_16, %dma_start3A] : memref<6400x128xi32, #tpu.memory_space<hbm>> -> memref<1x128xi32, #tpu.memory_space<hbm>>
    %dma_start3A_18 = tpu.memref_squeeze %dma_start3A_17 : memref<1x128xi32, #tpu.memory_space<hbm>> -> memref<128xi32, #tpu.memory_space<hbm>>
    %dma_start3A_19 = arith.constant 0 : i32
    %dma_start3A_20 = tpu.memref_slice %arg2[%add3A_16, %dma_start3A_19] : memref<6400x128xi32, #tpu.memory_space<hbm>> -> memref<1x128xi32, #tpu.memory_space<hbm>>
    %dma_start3A_21 = tpu.memref_squeeze %dma_start3A_20 : memref<1x128xi32, #tpu.memory_space<hbm>> -> memref<128xi32, #tpu.memory_space<hbm>>
    tpu.enqueue_dma source(%dma_start3A_21 : memref<128xi32, #tpu.memory_space<hbm>>) target(%arg9 : memref<128xi32, #tpu.memory_space<vmem>>) target_semaphore(%arg21 : memref<!tpu.dma_semaphore, #tpu.memory_space<semaphore_mem>>)
    %add3A_22 = arith.constant 0 : i32
    %add3A_23 = arith.addi %mul3A_6, %add3A_22 : i32
    %dma_start3A_24 = arith.constant 0 : i32
    %dma_start3A_25 = tpu.memref_slice %arg3[%add3A_23, %dma_start3A_24] : memref<6400x128xi32, #tpu.memory_space<hbm>> -> memref<1x128xi32, #tpu.memory_space<hbm>>
    %dma_start3A_26 = tpu.memref_squeeze %dma_start3A_25 : memref<1x128xi32, #tpu.memory_space<hbm>> -> memref<128xi32, #tpu.memory_space<hbm>>
    %dma_start3A_27 = arith.constant 0 : i32
    %dma_start3A_28 = tpu.memref_slice %arg3[%add3A_23, %dma_start3A_27] : memref<6400x128xi32, #tpu.memory_space<hbm>> -> memref<1x128xi32, #tpu.memory_space<hbm>>
    %dma_start3A_29 = tpu.memref_squeeze %dma_start3A_28 : memref<1x128xi32, #tpu.memory_space<hbm>> -> memref<128xi32, #tpu.memory_space<hbm>>
    tpu.enqueue_dma source(%dma_start3A_29 : memref<128xi32, #tpu.memory_space<hbm>>) target(%arg13 : memref<128xi32, #tpu.memory_space<vmem>>) target_semaphore(%arg21 : memref<!tpu.dma_semaphore, #tpu.memory_space<semaphore_mem>>)
    %add3A_30 = arith.constant 1 : i32
    %add3A_31 = arith.addi %mul3A_6, %add3A_30 : i32
    %dma_start3A_32 = arith.constant 0 : i32
    %dma_start3A_33 = tpu.memref_slice %arg2[%add3A_31, %dma_start3A_32] : memref<6400x128xi32, #tpu.memory_space<hbm>> -> memref<1x128xi32, #tpu.memory_space<hbm>>
    %dma_start3A_34 = tpu.memref_squeeze %dma_start3A_33 : memref<1x128xi32, #tpu.memory_space<hbm>> -> memref<128xi32, #tpu.memory_space<hbm>>
    %dma_start3A_35 = arith.constant 0 : i32
    %dma_start3A_36 = tpu.memref_slice %arg2[%add3A_31, %dma_start3A_35] : memref<6400x128xi32, #tpu.memory_space<hbm>> -> memref<1x128xi32, #tpu.memory_space<hbm>>
    %dma_start3A_37 = tpu.memref_squeeze %dma_start3A_36 : memref<1x128xi32, #tpu.memory_space<hbm>> -> memref<128xi32, #tpu.memory_space<hbm>>
    tpu.enqueue_dma source(%dma_start3A_37 : memref<128xi32, #tpu.memory_space<hbm>>) target(%arg10 : memref<128xi32, #tpu.memory_space<vmem>>) target_semaphore(%arg22 : memref<!tpu.dma_semaphore, #tpu.memory_space<semaphore_mem>>)
    %add3A_38 = arith.constant 1 : i32
    %add3A_39 = arith.addi %mul3A_6, %add3A_38 : i32
    %dma_start3A_40 = arith.constant 0 : i32
    %dma_start3A_41 = tpu.memref_slice %arg3[%add3A_39, %dma_start3A_40] : memref<6400x128xi32, #tpu.memory_space<hbm>> -> memref<1x128xi32, #tpu.memory_space<hbm>>
    %dma_start3A_42 = tpu.memref_squeeze %dma_start3A_41 : memref<1x128xi32, #tpu.memory_space<hbm>> -> memref<128xi32, #tpu.memory_space<hbm>>
    %dma_start3A_43 = arith.constant 0 : i32
    %dma_start3A_44 = tpu.memref_slice %arg3[%add3A_39, %dma_start3A_43] : memref<6400x128xi32, #tpu.memory_space<hbm>> -> memref<1x128xi32, #tpu.memory_space<hbm>>
    %dma_start3A_45 = tpu.memref_squeeze %dma_start3A_44 : memref<1x128xi32, #tpu.memory_space<hbm>> -> memref<128xi32, #tpu.memory_space<hbm>>
    tpu.enqueue_dma source(%dma_start3A_45 : memref<128xi32, #tpu.memory_space<hbm>>) target(%arg14 : memref<128xi32, #tpu.memory_space<vmem>>) target_semaphore(%arg22 : memref<!tpu.dma_semaphore, #tpu.memory_space<semaphore_mem>>)
    %scan3A_46 = arith.constant 0 : i32
    %scan3A_47 = arith.constant 0 : i32
    %scan3A_48 = arith.constant 51 : i32
    %scan3A_49 = arith.addi %scan3A_47, %scan3A_48 : i32
    %scan3A_50 = arith.constant 1 : i32
    %scan3A_51 = scf.for %scan3A_76 = %scan3A_47 to %scan3A_49 step %scan3A_50 iter_args(%scan3A_77 = %scan3A_46) -> (i32)  : i32 {
      %mul3A_78 = arith.constant 4 : i32
      %mul3A_79 = arith.muli %mul3A_78, %scan3A_76 : i32
      %add3A_80 = arith.constant 0 : i32
      %add3A_81 = arith.addi %mul3A_79, %add3A_80 : i32
      %ge3A = arith.constant 2 : i32
      %ge3A_82 = arith.cmpi sge, %add3A_81, %ge3A : i32
      %sub3A = arith.constant 2 : i32
      %sub3A_83 = arith.subi %add3A_81, %sub3A : i32
      %lt3A = arith.constant 200 : i32
      %lt3A_84 = arith.cmpi slt, %sub3A_83, %lt3A : i32
      %and3A = arith.andi %ge3A_82, %lt3A_84 : i1
      %convert_element_type3A = arith.extui %and3A : i1 to i32
      %cond3A = arith.constant 0 : i32
      %cond3A_85 = arith.cmpi ne, %convert_element_type3A, %cond3A : i32
      scf.if %cond3A_85 {
        %dma_wait3A_217 = arith.constant 0 : i32
        %dma_wait3A_218 = arith.constant 0 : i32
        %dma_wait3A_219 = tpu.memref_slice %arg7[%dma_wait3A_217, %dma_wait3A_218] : memref<12544x128xf32, #tpu.memory_space<hbm>> -> memref<128x128xf32, #tpu.memory_space<hbm>>
        %dma_wait3A_220 = arith.constant 0 : i32
        %dma_wait3A_221 = arith.constant 0 : i32
        %dma_wait3A_222 = tpu.memref_slice %arg7[%dma_wait3A_220, %dma_wait3A_221] : memref<12544x128xf32, #tpu.memory_space<hbm>> -> memref<128x128xf32, #tpu.memory_space<hbm>>
        tpu.wait_dma2 semaphore(%arg31 : memref<!tpu.dma_semaphore, #tpu.memory_space<semaphore_mem>>) src(%dma_wait3A_222 : memref<128x128xf32, #tpu.memory_space<hbm>>) dst(%arg19 : memref<128x128xf32, #tpu.memory_space<vmem>>)
        %sub3A_223 = arith.constant 2 : i32
        %sub3A_224 = arith.subi %add3A_81, %sub3A_223 : i32
        %mul3A_225 = arith.constant 128 : i32
        %mul3A_226 = arith.muli %sub3A_224, %mul3A_225 : i32
        %add3A_227 = arith.addi %mul3A_4, %mul3A_226 : i32
        %dma_start3A_228 = arith.constant 0 : i32
        %dma_start3A_229 = tpu.memref_slice %arg6[%add3A_227, %dma_start3A_228] : memref<819200x128xf32, #tpu.memory_space<hbm>> -> memref<128x128xf32, #tpu.memory_space<hbm>>
        %dma_start3A_230 = arith.constant 0 : i32
        %dma_start3A_231 = tpu.memref_slice %arg6[%add3A_227, %dma_start3A_230] : memref<819200x128xf32, #tpu.memory_space<hbm>> -> memref<128x128xf32, #tpu.memory_space<hbm>>
        tpu.enqueue_dma source(%arg19 : memref<128x128xf32, #tpu.memory_space<vmem>>) target(%dma_start3A_231 : memref<128x128xf32, #tpu.memory_space<hbm>>) target_semaphore(%arg35 : memref<!tpu.dma_semaphore, #tpu.memory_space<semaphore_mem>>)
      } else {
      }
      %add3A_86 = arith.constant 2 : i32
      %add3A_87 = arith.addi %add3A_81, %add3A_86 : i32
      %lt3A_88 = arith.constant 200 : i32
      %lt3A_89 = arith.cmpi slt, %add3A_87, %lt3A_88 : i32
      %convert_element_type3A_90 = arith.extui %lt3A_89 : i1 to i32
      %cond3A_91 = arith.constant 0 : i32
      %cond3A_92 = arith.cmpi ne, %convert_element_type3A_90, %cond3A_91 : i32
      scf.if %cond3A_92 {
        %add3A_217 = arith.constant 2 : i32
        %add3A_218 = arith.addi %add3A_81, %add3A_217 : i32
        %add3A_219 = arith.addi %mul3A_6, %add3A_218 : i32
        %dma_start3A_220 = arith.constant 0 : i32
        %dma_start3A_221 = tpu.memref_slice %arg2[%add3A_219, %dma_start3A_220] : memref<6400x128xi32, #tpu.memory_space<hbm>> -> memref<1x128xi32, #tpu.memory_space<hbm>>
        %dma_start3A_222 = tpu.memref_squeeze %dma_start3A_221 : memref<1x128xi32, #tpu.memory_space<hbm>> -> memref<128xi32, #tpu.memory_space<hbm>>
        %dma_start3A_223 = arith.constant 0 : i32
        %dma_start3A_224 = tpu.memref_slice %arg2[%add3A_219, %dma_start3A_223] : memref<6400x128xi32, #tpu.memory_space<hbm>> -> memref<1x128xi32, #tpu.memory_space<hbm>>
        %dma_start3A_225 = tpu.memref_squeeze %dma_start3A_224 : memref<1x128xi32, #tpu.memory_space<hbm>> -> memref<128xi32, #tpu.memory_space<hbm>>
        tpu.enqueue_dma source(%dma_start3A_225 : memref<128xi32, #tpu.memory_space<hbm>>) target(%arg11 : memref<128xi32, #tpu.memory_space<vmem>>) target_semaphore(%arg23 : memref<!tpu.dma_semaphore, #tpu.memory_space<semaphore_mem>>)
        %add3A_226 = arith.addi %mul3A_6, %add3A_218 : i32
        %dma_start3A_227 = arith.constant 0 : i32
        %dma_start3A_228 = tpu.memref_slice %arg3[%add3A_226, %dma_start3A_227] : memref<6400x128xi32, #tpu.memory_space<hbm>> -> memref<1x128xi32, #tpu.memory_space<hbm>>
        %dma_start3A_229 = tpu.memref_squeeze %dma_start3A_228 : memref<1x128xi32, #tpu.memory_space<hbm>> -> memref<128xi32, #tpu.memory_space<hbm>>
        %dma_start3A_230 = arith.constant 0 : i32
        %dma_start3A_231 = tpu.memref_slice %arg3[%add3A_226, %dma_start3A_230] : memref<6400x128xi32, #tpu.memory_space<hbm>> -> memref<1x128xi32, #tpu.memory_space<hbm>>
        %dma_start3A_232 = tpu.memref_squeeze %dma_start3A_231 : memref<1x128xi32, #tpu.memory_space<hbm>> -> memref<128xi32, #tpu.memory_space<hbm>>
        tpu.enqueue_dma source(%dma_start3A_232 : memref<128xi32, #tpu.memory_space<hbm>>) target(%arg15 : memref<128xi32, #tpu.memory_space<vmem>>) target_semaphore(%arg23 : memref<!tpu.dma_semaphore, #tpu.memory_space<semaphore_mem>>)
      } else {
      }
      %lt3A_93 = arith.constant 200 : i32
      %lt3A_94 = arith.cmpi slt, %add3A_81, %lt3A_93 : i32
      %convert_element_type3A_95 = arith.extui %lt3A_94 : i1 to i32
      %cond3A_96 = arith.constant 0 : i32
      %cond3A_97 = arith.cmpi ne, %convert_element_type3A_95, %cond3A_96 : i32
      scf.if %cond3A_97 {
        %ge3A_217 = arith.constant 4 : i32
        %ge3A_218 = arith.cmpi sge, %add3A_81, %ge3A_217 : i32
        %convert_element_type3A_219 = arith.extui %ge3A_218 : i1 to i32
        %cond3A_220 = arith.constant 0 : i32
        %cond3A_221 = arith.cmpi ne, %convert_element_type3A_219, %cond3A_220 : i32
        scf.if %cond3A_221 {
          %dma_wait3A_241 = arith.constant 0 : i32
          %dma_wait3A_242 = arith.constant 0 : i32
          %dma_wait3A_243 = tpu.memref_slice %arg6[%dma_wait3A_241, %dma_wait3A_242] : memref<819200x128xf32, #tpu.memory_space<hbm>> -> memref<128x128xf32, #tpu.memory_space<hbm>>
          %dma_wait3A_244 = arith.constant 0 : i32
          %dma_wait3A_245 = arith.constant 0 : i32
          %dma_wait3A_246 = tpu.memref_slice %arg6[%dma_wait3A_244, %dma_wait3A_245] : memref<819200x128xf32, #tpu.memory_space<hbm>> -> memref<128x128xf32, #tpu.memory_space<hbm>>
          tpu.wait_dma2 semaphore(%arg33 : memref<!tpu.dma_semaphore, #tpu.memory_space<semaphore_mem>>) src(%arg17 : memref<128x128xf32, #tpu.memory_space<vmem>>) dst(%dma_wait3A_246 : memref<128x128xf32, #tpu.memory_space<hbm>>)
        } else {
        }
        %dma_wait3A_222 = arith.constant 0 : i32
        %dma_wait3A_223 = arith.constant 0 : i32
        %dma_wait3A_224 = tpu.memref_slice %arg2[%dma_wait3A_222, %dma_wait3A_223] : memref<6400x128xi32, #tpu.memory_space<hbm>> -> memref<1x128xi32, #tpu.memory_space<hbm>>
        %dma_wait3A_225 = tpu.memref_squeeze %dma_wait3A_224 : memref<1x128xi32, #tpu.memory_space<hbm>> -> memref<128xi32, #tpu.memory_space<hbm>>
        %dma_wait3A_226 = arith.constant 0 : i32
        %dma_wait3A_227 = tpu.memref_slice %arg2[%dma_wait3A_222, %dma_wait3A_226] : memref<6400x128xi32, #tpu.memory_space<hbm>> -> memref<1x128xi32, #tpu.memory_space<hbm>>
        %dma_wait3A_228 = tpu.memref_squeeze %dma_wait3A_227 : memref<1x128xi32, #tpu.memory_space<hbm>> -> memref<128xi32, #tpu.memory_space<hbm>>
        tpu.wait_dma2 semaphore(%arg21 : memref<!tpu.dma_semaphore, #tpu.memory_space<semaphore_mem>>) src(%dma_wait3A_228 : memref<128xi32, #tpu.memory_space<hbm>>) dst(%arg9 : memref<128xi32, #tpu.memory_space<vmem>>)
        %dma_wait3A_229 = arith.constant 0 : i32
        %dma_wait3A_230 = arith.constant 0 : i32
        %dma_wait3A_231 = tpu.memref_slice %arg2[%dma_wait3A_229, %dma_wait3A_230] : memref<6400x128xi32, #tpu.memory_space<hbm>> -> memref<1x128xi32, #tpu.memory_space<hbm>>
        %dma_wait3A_232 = tpu.memref_squeeze %dma_wait3A_231 : memref<1x128xi32, #tpu.memory_space<hbm>> -> memref<128xi32, #tpu.memory_space<hbm>>
        %dma_wait3A_233 = arith.constant 0 : i32
        %dma_wait3A_234 = tpu.memref_slice %arg2[%dma_wait3A_229, %dma_wait3A_233] : memref<6400x128xi32, #tpu.memory_space<hbm>> -> memref<1x128xi32, #tpu.memory_space<hbm>>
        %dma_wait3A_235 = tpu.memref_squeeze %dma_wait3A_234 : memref<1x128xi32, #tpu.memory_space<hbm>> -> memref<128xi32, #tpu.memory_space<hbm>>
        tpu.wait_dma2 semaphore(%arg21 : memref<!tpu.dma_semaphore, #tpu.memory_space<semaphore_mem>>) src(%dma_wait3A_235 : memref<128xi32, #tpu.memory_space<hbm>>) dst(%arg13 : memref<128xi32, #tpu.memory_space<vmem>>)
        %parallel_loop3A = arith.constant 0 : i32
        %parallel_loop3A_236 = arith.constant 8 : i32
        %parallel_loop3A_237 = arith.constant 1 : i32
        scf.for %parallel_loop3A_241 = %parallel_loop3A to %parallel_loop3A_236 step %parallel_loop3A_237  : i32 {
          %parallel_loop3A_242 = arith.constant 16 : i32
          %parallel_loop3A_243 = arith.muli %parallel_loop3A_241, %parallel_loop3A_242 : i32
          %parallel_loop3A_244 = arith.index_cast %parallel_loop3A_243 : i32 to index
          %parallel_loop3A_245 = tpu.vector_load %arg9[%parallel_loop3A_244] {strides = array<i32>} : memref<128xi32, #tpu.memory_space<vmem>>, vector<16xi32>,
          %parallel_loop3A_246 = vector.shape_cast %parallel_loop3A_245 : vector<16xi32> to vector<16xi32>
          %parallel_loop3A_247 = vector.broadcast %mul3A_8 : i32 to vector<16xi32>
          %parallel_loop3A_248 = arith.addi %parallel_loop3A_246, %parallel_loop3A_247 : vector<16xi32>
          %parallel_loop3A_249 = arith.index_cast %parallel_loop3A_243 : i32 to index
          %parallel_loop3A_250 = tpu.vector_load %arg9[%parallel_loop3A_249] {strides = array<i32>} : memref<128xi32, #tpu.memory_space<vmem>>, vector<16xi32>,
          %parallel_loop3A_251 = vector.shape_cast %parallel_loop3A_250 : vector<16xi32> to vector<16xi32>
          %parallel_loop3A_252 = vector.shape_cast %parallel_loop3A_248 : vector<16xi32> to vector<16xi32>
          tpu.vector_store %arg9[%parallel_loop3A_249], %parallel_loop3A_252 {strides = array<i32>} : memref<128xi32, #tpu.memory_space<vmem>>, vector<16xi32>,
        } {sc.loop_unroll_factor = 1 : i64, sc.parallel_access}
        %dma_start3A_238 = arith.constant 0 : i32
        %dma_start3A_239 = arith.constant 0 : i32
        %dma_start3A_240 = tpu.memref_slice %arg8[%dma_start3A_238, %dma_start3A_239] : memref<6272x128xf32, #tpu.memory_space<vmem_shared>> -> memref<6272x128xf32, #tpu.memory_space<vmem_shared>>
        tpu.enqueue_indirect_dma source(%dma_start3A_240 : memref<6272x128xf32, #tpu.memory_space<vmem_shared>>) target(%arg17 : memref<128x128xf32, #tpu.memory_space<vmem>>) offsets(%arg13 : memref<128xi32, #tpu.memory_space<vmem>>) semaphore(%arg25 : memref<!tpu.dma_semaphore, #tpu.memory_space<semaphore_mem>>)
      } else {
      }
      %ge3A_98 = arith.constant 1 : i32
      %ge3A_99 = arith.cmpi sge, %add3A_81, %ge3A_98 : i32
      %sub3A_100 = arith.constant 1 : i32
      %sub3A_101 = arith.subi %add3A_81, %sub3A_100 : i32
      %lt3A_102 = arith.constant 200 : i32
      %lt3A_103 = arith.cmpi slt, %sub3A_101, %lt3A_102 : i32
      %and3A_104 = arith.andi %ge3A_99, %lt3A_103 : i1
      %convert_element_type3A_105 = arith.extui %and3A_104 : i1 to i32
      %cond3A_106 = arith.constant 0 : i32
      %cond3A_107 = arith.cmpi ne, %convert_element_type3A_105, %cond3A_106 : i32
      scf.if %cond3A_107 {
        %dma_wait3A_217 = arith.constant 0 : i32
        %dma_wait3A_218 = arith.constant 0 : i32
        %dma_wait3A_219 = tpu.memref_slice %arg8[%dma_wait3A_217, %dma_wait3A_218] : memref<6272x128xf32, #tpu.memory_space<vmem_shared>> -> memref<128x128xf32, #tpu.memory_space<vmem_shared>>
        %dma_wait3A_220 = arith.constant 0 : i32
        %dma_wait3A_221 = arith.constant 0 : i32
        %dma_wait3A_222 = tpu.memref_slice %arg8[%dma_wait3A_220, %dma_wait3A_221] : memref<6272x128xf32, #tpu.memory_space<vmem_shared>> -> memref<128x128xf32, #tpu.memory_space<vmem_shared>>
        tpu.wait_dma2 semaphore(%arg28 : memref<!tpu.dma_semaphore, #tpu.memory_space<semaphore_mem>>) src(%dma_wait3A_222 : memref<128x128xf32, #tpu.memory_space<vmem_shared>>) dst(%arg20 : memref<128x128xf32, #tpu.memory_space<vmem>>)
        %dma_start3A_223 = arith.constant 0 : i32
        %dma_start3A_224 = arith.constant 0 : i32
        %dma_start3A_225 = tpu.memref_slice %arg7[%dma_start3A_223, %dma_start3A_224] : memref<12544x128xf32, #tpu.memory_space<hbm>> -> memref<12544x128xf32, #tpu.memory_space<hbm>>
        tpu.enqueue_indirect_dma source(%dma_start3A_225 : memref<12544x128xf32, #tpu.memory_space<hbm>>) target(%arg20 : memref<128x128xf32, #tpu.memory_space<vmem>>) offsets(%arg12 : memref<128xi32, #tpu.memory_space<vmem>>) semaphore(%arg32 : memref<!tpu.dma_semaphore, #tpu.memory_space<semaphore_mem>>) {add = true}
      } else {
      }
      %mul3A_108 = arith.constant 4 : i32
      %mul3A_109 = arith.muli %mul3A_108, %scan3A_76 : i32
      %add3A_110 = arith.constant 1 : i32
      %add3A_111 = arith.addi %mul3A_109, %add3A_110 : i32
      %ge3A_112 = arith.constant 2 : i32
      %ge3A_113 = arith.cmpi sge, %add3A_111, %ge3A_112 : i32
      %sub3A_114 = arith.constant 2 : i32
      %sub3A_115 = arith.subi %add3A_111, %sub3A_114 : i32
      %lt3A_116 = arith.constant 200 : i32
      %lt3A_117 = arith.cmpi slt, %sub3A_115, %lt3A_116 : i32
      %and3A_118 = arith.andi %ge3A_113, %lt3A_117 : i1
      %convert_element_type3A_119 = arith.extui %and3A_118 : i1 to i32
      %cond3A_120 = arith.constant 0 : i32
      %cond3A_121 = arith.cmpi ne, %convert_element_type3A_119, %cond3A_120 : i32
      scf.if %cond3A_121 {
        %dma_wait3A_217 = arith.constant 0 : i32
        %dma_wait3A_218 = arith.constant 0 : i32
        %dma_wait3A_219 = tpu.memref_slice %arg7[%dma_wait3A_217, %dma_wait3A_218] : memref<12544x128xf32, #tpu.memory_space<hbm>> -> memref<128x128xf32, #tpu.memory_space<hbm>>
        %dma_wait3A_220 = arith.constant 0 : i32
        %dma_wait3A_221 = arith.constant 0 : i32
        %dma_wait3A_222 = tpu.memref_slice %arg7[%dma_wait3A_220, %dma_wait3A_221] : memref<12544x128xf32, #tpu.memory_space<hbm>> -> memref<128x128xf32, #tpu.memory_space<hbm>>
        tpu.wait_dma2 semaphore(%arg32 : memref<!tpu.dma_semaphore, #tpu.memory_space<semaphore_mem>>) src(%dma_wait3A_222 : memref<128x128xf32, #tpu.memory_space<hbm>>) dst(%arg20 : memref<128x128xf32, #tpu.memory_space<vmem>>)
        %sub3A_223 = arith.constant 2 : i32
        %sub3A_224 = arith.subi %add3A_111, %sub3A_223 : i32
        %mul3A_225 = arith.constant 128 : i32
        %mul3A_226 = arith.muli %sub3A_224, %mul3A_225 : i32
        %add3A_227 = arith.addi %mul3A_4, %mul3A_226 : i32
        %dma_start3A_228 = arith.constant 0 : i32
        %dma_start3A_229 = tpu.memref_slice %arg6[%add3A_227, %dma_start3A_228] : memref<819200x128xf32, #tpu.memory_space<hbm>> -> memref<128x128xf32, #tpu.memory_space<hbm>>
        %dma_start3A_230 = arith.constant 0 : i32
        %dma_start3A_231 = tpu.memref_slice %arg6[%add3A_227, %dma_start3A_230] : memref<819200x128xf32, #tpu.memory_space<hbm>> -> memref<128x128xf32, #tpu.memory_space<hbm>>
        tpu.enqueue_dma source(%arg20 : memref<128x128xf32, #tpu.memory_space<vmem>>) target(%dma_start3A_231 : memref<128x128xf32, #tpu.memory_space<hbm>>) target_semaphore(%arg36 : memref<!tpu.dma_semaphore, #tpu.memory_space<semaphore_mem>>)
      } else {
      }
      %add3A_122 = arith.constant 2 : i32
      %add3A_123 = arith.addi %add3A_111, %add3A_122 : i32
      %lt3A_124 = arith.constant 200 : i32
      %lt3A_125 = arith.cmpi slt, %add3A_123, %lt3A_124 : i32
      %convert_element_type3A_126 = arith.extui %lt3A_125 : i1 to i32
      %cond3A_127 = arith.constant 0 : i32
      %cond3A_128 = arith.cmpi ne, %convert_element_type3A_126, %cond3A_127 : i32
      scf.if %cond3A_128 {
        %add3A_217 = arith.constant 2 : i32
        %add3A_218 = arith.addi %add3A_111, %add3A_217 : i32
        %add3A_219 = arith.addi %mul3A_6, %add3A_218 : i32
        %dma_start3A_220 = arith.constant 0 : i32
        %dma_start3A_221 = tpu.memref_slice %arg2[%add3A_219, %dma_start3A_220] : memref<6400x128xi32, #tpu.memory_space<hbm>> -> memref<1x128xi32, #tpu.memory_space<hbm>>
        %dma_start3A_222 = tpu.memref_squeeze %dma_start3A_221 : memref<1x128xi32, #tpu.memory_space<hbm>> -> memref<128xi32, #tpu.memory_space<hbm>>
        %dma_start3A_223 = arith.constant 0 : i32
        %dma_start3A_224 = tpu.memref_slice %arg2[%add3A_219, %dma_start3A_223] : memref<6400x128xi32, #tpu.memory_space<hbm>> -> memref<1x128xi32, #tpu.memory_space<hbm>>
        %dma_start3A_225 = tpu.memref_squeeze %dma_start3A_224 : memref<1x128xi32, #tpu.memory_space<hbm>> -> memref<128xi32, #tpu.memory_space<hbm>>
        tpu.enqueue_dma source(%dma_start3A_225 : memref<128xi32, #tpu.memory_space<hbm>>) target(%arg12 : memref<128xi32, #tpu.memory_space<vmem>>) target_semaphore(%arg24 : memref<!tpu.dma_semaphore, #tpu.memory_space<semaphore_mem>>)
        %add3A_226 = arith.addi %mul3A_6, %add3A_218 : i32
        %dma_start3A_227 = arith.constant 0 : i32
        %dma_start3A_228 = tpu.memref_slice %arg3[%add3A_226, %dma_start3A_227] : memref<6400x128xi32, #tpu.memory_space<hbm>> -> memref<1x128xi32, #tpu.memory_space<hbm>>
        %dma_start3A_229 = tpu.memref_squeeze %dma_start3A_228 : memref<1x128xi32, #tpu.memory_space<hbm>> -> memref<128xi32, #tpu.memory_space<hbm>>
        %dma_start3A_230 = arith.constant 0 : i32
        %dma_start3A_231 = tpu.memref_slice %arg3[%add3A_226, %dma_start3A_230] : memref<6400x128xi32, #tpu.memory_space<hbm>> -> memref<1x128xi32, #tpu.memory_space<hbm>>
        %dma_start3A_232 = tpu.memref_squeeze %dma_start3A_231 : memref<1x128xi32, #tpu.memory_space<hbm>> -> memref<128xi32, #tpu.memory_space<hbm>>
        tpu.enqueue_dma source(%dma_start3A_232 : memref<128xi32, #tpu.memory_space<hbm>>) target(%arg16 : memref<128xi32, #tpu.memory_space<vmem>>) target_semaphore(%arg24 : memref<!tpu.dma_semaphore, #tpu.memory_space<semaphore_mem>>)
      } else {
      }
      %lt3A_129 = arith.constant 200 : i32
      %lt3A_130 = arith.cmpi slt, %add3A_111, %lt3A_129 : i32
      %convert_element_type3A_131 = arith.extui %lt3A_130 : i1 to i32
      %cond3A_132 = arith.constant 0 : i32
      %cond3A_133 = arith.cmpi ne, %convert_element_type3A_131, %cond3A_132 : i32
      scf.if %cond3A_133 {
        %ge3A_217 = arith.constant 4 : i32
        %ge3A_218 = arith.cmpi sge, %add3A_111, %ge3A_217 : i32
        %convert_element_type3A_219 = arith.extui %ge3A_218 : i1 to i32
        %cond3A_220 = arith.constant 0 : i32
        %cond3A_221 = arith.cmpi ne, %convert_element_type3A_219, %cond3A_220 : i32
        scf.if %cond3A_221 {
          %dma_wait3A_241 = arith.constant 0 : i32
          %dma_wait3A_242 = arith.constant 0 : i32
          %dma_wait3A_243 = tpu.memref_slice %arg6[%dma_wait3A_241, %dma_wait3A_242] : memref<819200x128xf32, #tpu.memory_space<hbm>> -> memref<128x128xf32, #tpu.memory_space<hbm>>
          %dma_wait3A_244 = arith.constant 0 : i32
          %dma_wait3A_245 = arith.constant 0 : i32
          %dma_wait3A_246 = tpu.memref_slice %arg6[%dma_wait3A_244, %dma_wait3A_245] : memref<819200x128xf32, #tpu.memory_space<hbm>> -> memref<128x128xf32, #tpu.memory_space<hbm>>
          tpu.wait_dma2 semaphore(%arg34 : memref<!tpu.dma_semaphore, #tpu.memory_space<semaphore_mem>>) src(%arg18 : memref<128x128xf32, #tpu.memory_space<vmem>>) dst(%dma_wait3A_246 : memref<128x128xf32, #tpu.memory_space<hbm>>)
        } else {
        }
        %dma_wait3A_222 = arith.constant 0 : i32
        %dma_wait3A_223 = arith.constant 0 : i32
        %dma_wait3A_224 = tpu.memref_slice %arg2[%dma_wait3A_222, %dma_wait3A_223] : memref<6400x128xi32, #tpu.memory_space<hbm>> -> memref<1x128xi32, #tpu.memory_space<hbm>>
        %dma_wait3A_225 = tpu.memref_squeeze %dma_wait3A_224 : memref<1x128xi32, #tpu.memory_space<hbm>> -> memref<128xi32, #tpu.memory_space<hbm>>
        %dma_wait3A_226 = arith.constant 0 : i32
        %dma_wait3A_227 = tpu.memref_slice %arg2[%dma_wait3A_222, %dma_wait3A_226] : memref<6400x128xi32, #tpu.memory_space<hbm>> -> memref<1x128xi32, #tpu.memory_space<hbm>>
        %dma_wait3A_228 = tpu.memref_squeeze %dma_wait3A_227 : memref<1x128xi32, #tpu.memory_space<hbm>> -> memref<128xi32, #tpu.memory_space<hbm>>
        tpu.wait_dma2 semaphore(%arg22 : memref<!tpu.dma_semaphore, #tpu.memory_space<semaphore_mem>>) src(%dma_wait3A_228 : memref<128xi32, #tpu.memory_space<hbm>>) dst(%arg10 : memref<128xi32, #tpu.memory_space<vmem>>)
        %dma_wait3A_229 = arith.constant 0 : i32
        %dma_wait3A_230 = arith.constant 0 : i32
        %dma_wait3A_231 = tpu.memref_slice %arg2[%dma_wait3A_229, %dma_wait3A_230] : memref<6400x128xi32, #tpu.memory_space<hbm>> -> memref<1x128xi32, #tpu.memory_space<hbm>>
        %dma_wait3A_232 = tpu.memref_squeeze %dma_wait3A_231 : memref<1x128xi32, #tpu.memory_space<hbm>> -> memref<128xi32, #tpu.memory_space<hbm>>
        %dma_wait3A_233 = arith.constant 0 : i32
        %dma_wait3A_234 = tpu.memref_slice %arg2[%dma_wait3A_229, %dma_wait3A_233] : memref<6400x128xi32, #tpu.memory_space<hbm>> -> memref<1x128xi32, #tpu.memory_space<hbm>>
        %dma_wait3A_235 = tpu.memref_squeeze %dma_wait3A_234 : memref<1x128xi32, #tpu.memory_space<hbm>> -> memref<128xi32, #tpu.memory_space<hbm>>
        tpu.wait_dma2 semaphore(%arg22 : memref<!tpu.dma_semaphore, #tpu.memory_space<semaphore_mem>>) src(%dma_wait3A_235 : memref<128xi32, #tpu.memory_space<hbm>>) dst(%arg14 : memref<128xi32, #tpu.memory_space<vmem>>)
        %parallel_loop3A = arith.constant 0 : i32
        %parallel_loop3A_236 = arith.constant 8 : i32
        %parallel_loop3A_237 = arith.constant 1 : i32
        scf.for %parallel_loop3A_241 = %parallel_loop3A to %parallel_loop3A_236 step %parallel_loop3A_237  : i32 {
          %parallel_loop3A_242 = arith.constant 16 : i32
          %parallel_loop3A_243 = arith.muli %parallel_loop3A_241, %parallel_loop3A_242 : i32
          %parallel_loop3A_244 = arith.index_cast %parallel_loop3A_243 : i32 to index
          %parallel_loop3A_245 = tpu.vector_load %arg10[%parallel_loop3A_244] {strides = array<i32>} : memref<128xi32, #tpu.memory_space<vmem>>, vector<16xi32>,
          %parallel_loop3A_246 = vector.shape_cast %parallel_loop3A_245 : vector<16xi32> to vector<16xi32>
          %parallel_loop3A_247 = vector.broadcast %mul3A_8 : i32 to vector<16xi32>
          %parallel_loop3A_248 = arith.addi %parallel_loop3A_246, %parallel_loop3A_247 : vector<16xi32>
          %parallel_loop3A_249 = arith.index_cast %parallel_loop3A_243 : i32 to index
          %parallel_loop3A_250 = tpu.vector_load %arg10[%parallel_loop3A_249] {strides = array<i32>} : memref<128xi32, #tpu.memory_space<vmem>>, vector<16xi32>,
          %parallel_loop3A_251 = vector.shape_cast %parallel_loop3A_250 : vector<16xi32> to vector<16xi32>
          %parallel_loop3A_252 = vector.shape_cast %parallel_loop3A_248 : vector<16xi32> to vector<16xi32>
          tpu.vector_store %arg10[%parallel_loop3A_249], %parallel_loop3A_252 {strides = array<i32>} : memref<128xi32, #tpu.memory_space<vmem>>, vector<16xi32>,
        } {sc.loop_unroll_factor = 1 : i64, sc.parallel_access}
        %dma_start3A_238 = arith.constant 0 : i32
        %dma_start3A_239 = arith.constant 0 : i32
        %dma_start3A_240 = tpu.memref_slice %arg8[%dma_start3A_238, %dma_start3A_239] : memref<6272x128xf32, #tpu.memory_space<vmem_shared>> -> memref<6272x128xf32, #tpu.memory_space<vmem_shared>>
        tpu.enqueue_indirect_dma source(%dma_start3A_240 : memref<6272x128xf32, #tpu.memory_space<vmem_shared>>) target(%arg18 : memref<128x128xf32, #tpu.memory_space<vmem>>) offsets(%arg14 : memref<128xi32, #tpu.memory_space<vmem>>) semaphore(%arg26 : memref<!tpu.dma_semaphore, #tpu.memory_space<semaphore_mem>>)
      } else {
      }
      %ge3A_134 = arith.constant 1 : i32
      %ge3A_135 = arith.cmpi sge, %add3A_111, %ge3A_134 : i32
      %sub3A_136 = arith.constant 1 : i32
      %sub3A_137 = arith.subi %add3A_111, %sub3A_136 : i32
      %lt3A_138 = arith.constant 200 : i32
      %lt3A_139 = arith.cmpi slt, %sub3A_137, %lt3A_138 : i32
      %and3A_140 = arith.andi %ge3A_135, %lt3A_139 : i1
      %convert_element_type3A_141 = arith.extui %and3A_140 : i1 to i32
      %cond3A_142 = arith.constant 0 : i32
      %cond3A_143 = arith.cmpi ne, %convert_element_type3A_141, %cond3A_142 : i32
      scf.if %cond3A_143 {
        %dma_wait3A_217 = arith.constant 0 : i32
        %dma_wait3A_218 = arith.constant 0 : i32
        %dma_wait3A_219 = tpu.memref_slice %arg8[%dma_wait3A_217, %dma_wait3A_218] : memref<6272x128xf32, #tpu.memory_space<vmem_shared>> -> memref<128x128xf32, #tpu.memory_space<vmem_shared>>
        %dma_wait3A_220 = arith.constant 0 : i32
        %dma_wait3A_221 = arith.constant 0 : i32
        %dma_wait3A_222 = tpu.memref_slice %arg8[%dma_wait3A_220, %dma_wait3A_221] : memref<6272x128xf32, #tpu.memory_space<vmem_shared>> -> memref<128x128xf32, #tpu.memory_space<vmem_shared>>
        tpu.wait_dma2 semaphore(%arg25 : memref<!tpu.dma_semaphore, #tpu.memory_space<semaphore_mem>>) src(%dma_wait3A_222 : memref<128x128xf32, #tpu.memory_space<vmem_shared>>) dst(%arg17 : memref<128x128xf32, #tpu.memory_space<vmem>>)
        %dma_start3A_223 = arith.constant 0 : i32
        %dma_start3A_224 = arith.constant 0 : i32
        %dma_start3A_225 = tpu.memref_slice %arg7[%dma_start3A_223, %dma_start3A_224] : memref<12544x128xf32, #tpu.memory_space<hbm>> -> memref<12544x128xf32, #tpu.memory_space<hbm>>
        tpu.enqueue_indirect_dma source(%dma_start3A_225 : memref<12544x128xf32, #tpu.memory_space<hbm>>) target(%arg17 : memref<128x128xf32, #tpu.memory_space<vmem>>) offsets(%arg9 : memref<128xi32, #tpu.memory_space<vmem>>) semaphore(%arg29 : memref<!tpu.dma_semaphore, #tpu.memory_space<semaphore_mem>>) {add = true}
      } else {
      }
      %mul3A_144 = arith.constant 4 : i32
      %mul3A_145 = arith.muli %mul3A_144, %scan3A_76 : i32
      %add3A_146 = arith.constant 2 : i32
      %add3A_147 = arith.addi %mul3A_145, %add3A_146 : i32
      %ge3A_148 = arith.constant 2 : i32
      %ge3A_149 = arith.cmpi sge, %add3A_147, %ge3A_148 : i32
      %sub3A_150 = arith.constant 2 : i32
      %sub3A_151 = arith.subi %add3A_147, %sub3A_150 : i32
      %lt3A_152 = arith.constant 200 : i32
      %lt3A_153 = arith.cmpi slt, %sub3A_151, %lt3A_152 : i32
      %and3A_154 = arith.andi %ge3A_149, %lt3A_153 : i1
      %convert_element_type3A_155 = arith.extui %and3A_154 : i1 to i32
      %cond3A_156 = arith.constant 0 : i32
      %cond3A_157 = arith.cmpi ne, %convert_element_type3A_155, %cond3A_156 : i32
      scf.if %cond3A_157 {
        %dma_wait3A_217 = arith.constant 0 : i32
        %dma_wait3A_218 = arith.constant 0 : i32
        %dma_wait3A_219 = tpu.memref_slice %arg7[%dma_wait3A_217, %dma_wait3A_218] : memref<12544x128xf32, #tpu.memory_space<hbm>> -> memref<128x128xf32, #tpu.memory_space<hbm>>
        %dma_wait3A_220 = arith.constant 0 : i32
        %dma_wait3A_221 = arith.constant 0 : i32
        %dma_wait3A_222 = tpu.memref_slice %arg7[%dma_wait3A_220, %dma_wait3A_221] : memref<12544x128xf32, #tpu.memory_space<hbm>> -> memref<128x128xf32, #tpu.memory_space<hbm>>
        tpu.wait_dma2 semaphore(%arg29 : memref<!tpu.dma_semaphore, #tpu.memory_space<semaphore_mem>>) src(%dma_wait3A_222 : memref<128x128xf32, #tpu.memory_space<hbm>>) dst(%arg17 : memref<128x128xf32, #tpu.memory_space<vmem>>)
        %sub3A_223 = arith.constant 2 : i32
        %sub3A_224 = arith.subi %add3A_147, %sub3A_223 : i32
        %mul3A_225 = arith.constant 128 : i32
        %mul3A_226 = arith.muli %sub3A_224, %mul3A_225 : i32
        %add3A_227 = arith.addi %mul3A_4, %mul3A_226 : i32
        %dma_start3A_228 = arith.constant 0 : i32
        %dma_start3A_229 = tpu.memref_slice %arg6[%add3A_227, %dma_start3A_228] : memref<819200x128xf32, #tpu.memory_space<hbm>> -> memref<128x128xf32, #tpu.memory_space<hbm>>
        %dma_start3A_230 = arith.constant 0 : i32
        %dma_start3A_231 = tpu.memref_slice %arg6[%add3A_227, %dma_start3A_230] : memref<819200x128xf32, #tpu.memory_space<hbm>> -> memref<128x128xf32, #tpu.memory_space<hbm>>
        tpu.enqueue_dma source(%arg17 : memref<128x128xf32, #tpu.memory_space<vmem>>) target(%dma_start3A_231 : memref<128x128xf32, #tpu.memory_space<hbm>>) target_semaphore(%arg33 : memref<!tpu.dma_semaphore, #tpu.memory_space<semaphore_mem>>)
      } else {
      }
      %add3A_158 = arith.constant 2 : i32
      %add3A_159 = arith.addi %add3A_147, %add3A_158 : i32
      %lt3A_160 = arith.constant 200 : i32
      %lt3A_161 = arith.cmpi slt, %add3A_159, %lt3A_160 : i32
      %convert_element_type3A_162 = arith.extui %lt3A_161 : i1 to i32
      %cond3A_163 = arith.constant 0 : i32
      %cond3A_164 = arith.cmpi ne, %convert_element_type3A_162, %cond3A_163 : i32
      scf.if %cond3A_164 {
        %add3A_217 = arith.constant 2 : i32
        %add3A_218 = arith.addi %add3A_147, %add3A_217 : i32
        %add3A_219 = arith.addi %mul3A_6, %add3A_218 : i32
        %dma_start3A_220 = arith.constant 0 : i32
        %dma_start3A_221 = tpu.memref_slice %arg2[%add3A_219, %dma_start3A_220] : memref<6400x128xi32, #tpu.memory_space<hbm>> -> memref<1x128xi32, #tpu.memory_space<hbm>>
        %dma_start3A_222 = tpu.memref_squeeze %dma_start3A_221 : memref<1x128xi32, #tpu.memory_space<hbm>> -> memref<128xi32, #tpu.memory_space<hbm>>
        %dma_start3A_223 = arith.constant 0 : i32
        %dma_start3A_224 = tpu.memref_slice %arg2[%add3A_219, %dma_start3A_223] : memref<6400x128xi32, #tpu.memory_space<hbm>> -> memref<1x128xi32, #tpu.memory_space<hbm>>
        %dma_start3A_225 = tpu.memref_squeeze %dma_start3A_224 : memref<1x128xi32, #tpu.memory_space<hbm>> -> memref<128xi32, #tpu.memory_space<hbm>>
        tpu.enqueue_dma source(%dma_start3A_225 : memref<128xi32, #tpu.memory_space<hbm>>) target(%arg9 : memref<128xi32, #tpu.memory_space<vmem>>) target_semaphore(%arg21 : memref<!tpu.dma_semaphore, #tpu.memory_space<semaphore_mem>>)
        %add3A_226 = arith.addi %mul3A_6, %add3A_218 : i32
        %dma_start3A_227 = arith.constant 0 : i32
        %dma_start3A_228 = tpu.memref_slice %arg3[%add3A_226, %dma_start3A_227] : memref<6400x128xi32, #tpu.memory_space<hbm>> -> memref<1x128xi32, #tpu.memory_space<hbm>>
        %dma_start3A_229 = tpu.memref_squeeze %dma_start3A_228 : memref<1x128xi32, #tpu.memory_space<hbm>> -> memref<128xi32, #tpu.memory_space<hbm>>
        %dma_start3A_230 = arith.constant 0 : i32
        %dma_start3A_231 = tpu.memref_slice %arg3[%add3A_226, %dma_start3A_230] : memref<6400x128xi32, #tpu.memory_space<hbm>> -> memref<1x128xi32, #tpu.memory_space<hbm>>
        %dma_start3A_232 = tpu.memref_squeeze %dma_start3A_231 : memref<1x128xi32, #tpu.memory_space<hbm>> -> memref<128xi32, #tpu.memory_space<hbm>>
        tpu.enqueue_dma source(%dma_start3A_232 : memref<128xi32, #tpu.memory_space<hbm>>) target(%arg13 : memref<128xi32, #tpu.memory_space<vmem>>) target_semaphore(%arg21 : memref<!tpu.dma_semaphore, #tpu.memory_space<semaphore_mem>>)
      } else {
      }
      %lt3A_165 = arith.constant 200 : i32
      %lt3A_166 = arith.cmpi slt, %add3A_147, %lt3A_165 : i32
      %convert_element_type3A_167 = arith.extui %lt3A_166 : i1 to i32
      %cond3A_168 = arith.constant 0 : i32
      %cond3A_169 = arith.cmpi ne, %convert_element_type3A_167, %cond3A_168 : i32
      scf.if %cond3A_169 {
        %ge3A_217 = arith.constant 4 : i32
        %ge3A_218 = arith.cmpi sge, %add3A_147, %ge3A_217 : i32
        %convert_element_type3A_219 = arith.extui %ge3A_218 : i1 to i32
        %cond3A_220 = arith.constant 0 : i32
        %cond3A_221 = arith.cmpi ne, %convert_element_type3A_219, %cond3A_220 : i32
        scf.if %cond3A_221 {
          %dma_wait3A_241 = arith.constant 0 : i32
          %dma_wait3A_242 = arith.constant 0 : i32
          %dma_wait3A_243 = tpu.memref_slice %arg6[%dma_wait3A_241, %dma_wait3A_242] : memref<819200x128xf32, #tpu.memory_space<hbm>> -> memref<128x128xf32, #tpu.memory_space<hbm>>
          %dma_wait3A_244 = arith.constant 0 : i32
          %dma_wait3A_245 = arith.constant 0 : i32
          %dma_wait3A_246 = tpu.memref_slice %arg6[%dma_wait3A_244, %dma_wait3A_245] : memref<819200x128xf32, #tpu.memory_space<hbm>> -> memref<128x128xf32, #tpu.memory_space<hbm>>
          tpu.wait_dma2 semaphore(%arg35 : memref<!tpu.dma_semaphore, #tpu.memory_space<semaphore_mem>>) src(%arg19 : memref<128x128xf32, #tpu.memory_space<vmem>>) dst(%dma_wait3A_246 : memref<128x128xf32, #tpu.memory_space<hbm>>)
        } else {
        }
        %dma_wait3A_222 = arith.constant 0 : i32
        %dma_wait3A_223 = arith.constant 0 : i32
        %dma_wait3A_224 = tpu.memref_slice %arg2[%dma_wait3A_222, %dma_wait3A_223] : memref<6400x128xi32, #tpu.memory_space<hbm>> -> memref<1x128xi32, #tpu.memory_space<hbm>>
        %dma_wait3A_225 = tpu.memref_squeeze %dma_wait3A_224 : memref<1x128xi32, #tpu.memory_space<hbm>> -> memref<128xi32, #tpu.memory_space<hbm>>
        %dma_wait3A_226 = arith.constant 0 : i32
        %dma_wait3A_227 = tpu.memref_slice %arg2[%dma_wait3A_222, %dma_wait3A_226] : memref<6400x128xi32, #tpu.memory_space<hbm>> -> memref<1x128xi32, #tpu.memory_space<hbm>>
        %dma_wait3A_228 = tpu.memref_squeeze %dma_wait3A_227 : memref<1x128xi32, #tpu.memory_space<hbm>> -> memref<128xi32, #tpu.memory_space<hbm>>
        tpu.wait_dma2 semaphore(%arg23 : memref<!tpu.dma_semaphore, #tpu.memory_space<semaphore_mem>>) src(%dma_wait3A_228 : memref<128xi32, #tpu.memory_space<hbm>>) dst(%arg11 : memref<128xi32, #tpu.memory_space<vmem>>)
        %dma_wait3A_229 = arith.constant 0 : i32
        %dma_wait3A_230 = arith.constant 0 : i32
        %dma_wait3A_231 = tpu.memref_slice %arg2[%dma_wait3A_229, %dma_wait3A_230] : memref<6400x128xi32, #tpu.memory_space<hbm>> -> memref<1x128xi32, #tpu.memory_space<hbm>>
        %dma_wait3A_232 = tpu.memref_squeeze %dma_wait3A_231 : memref<1x128xi32, #tpu.memory_space<hbm>> -> memref<128xi32, #tpu.memory_space<hbm>>
        %dma_wait3A_233 = arith.constant 0 : i32
        %dma_wait3A_234 = tpu.memref_slice %arg2[%dma_wait3A_229, %dma_wait3A_233] : memref<6400x128xi32, #tpu.memory_space<hbm>> -> memref<1x128xi32, #tpu.memory_space<hbm>>
        %dma_wait3A_235 = tpu.memref_squeeze %dma_wait3A_234 : memref<1x128xi32, #tpu.memory_space<hbm>> -> memref<128xi32, #tpu.memory_space<hbm>>
        tpu.wait_dma2 semaphore(%arg23 : memref<!tpu.dma_semaphore, #tpu.memory_space<semaphore_mem>>) src(%dma_wait3A_235 : memref<128xi32, #tpu.memory_space<hbm>>) dst(%arg15 : memref<128xi32, #tpu.memory_space<vmem>>)
        %parallel_loop3A = arith.constant 0 : i32
        %parallel_loop3A_236 = arith.constant 8 : i32
        %parallel_loop3A_237 = arith.constant 1 : i32
        scf.for %parallel_loop3A_241 = %parallel_loop3A to %parallel_loop3A_236 step %parallel_loop3A_237  : i32 {
          %parallel_loop3A_242 = arith.constant 16 : i32
          %parallel_loop3A_243 = arith.muli %parallel_loop3A_241, %parallel_loop3A_242 : i32
          %parallel_loop3A_244 = arith.index_cast %parallel_loop3A_243 : i32 to index
          %parallel_loop3A_245 = tpu.vector_load %arg11[%parallel_loop3A_244] {strides = array<i32>} : memref<128xi32, #tpu.memory_space<vmem>>, vector<16xi32>,
          %parallel_loop3A_246 = vector.shape_cast %parallel_loop3A_245 : vector<16xi32> to vector<16xi32>
          %parallel_loop3A_247 = vector.broadcast %mul3A_8 : i32 to vector<16xi32>
          %parallel_loop3A_248 = arith.addi %parallel_loop3A_246, %parallel_loop3A_247 : vector<16xi32>
          %parallel_loop3A_249 = arith.index_cast %parallel_loop3A_243 : i32 to index
          %parallel_loop3A_250 = tpu.vector_load %arg11[%parallel_loop3A_249] {strides = array<i32>} : memref<128xi32, #tpu.memory_space<vmem>>, vector<16xi32>,
          %parallel_loop3A_251 = vector.shape_cast %parallel_loop3A_250 : vector<16xi32> to vector<16xi32>
          %parallel_loop3A_252 = vector.shape_cast %parallel_loop3A_248 : vector<16xi32> to vector<16xi32>
          tpu.vector_store %arg11[%parallel_loop3A_249], %parallel_loop3A_252 {strides = array<i32>} : memref<128xi32, #tpu.memory_space<vmem>>, vector<16xi32>,
        } {sc.loop_unroll_factor = 1 : i64, sc.parallel_access}
        %dma_start3A_238 = arith.constant 0 : i32
        %dma_start3A_239 = arith.constant 0 : i32
        %dma_start3A_240 = tpu.memref_slice %arg8[%dma_start3A_238, %dma_start3A_239] : memref<6272x128xf32, #tpu.memory_space<vmem_shared>> -> memref<6272x128xf32, #tpu.memory_space<vmem_shared>>
        tpu.enqueue_indirect_dma source(%dma_start3A_240 : memref<6272x128xf32, #tpu.memory_space<vmem_shared>>) target(%arg19 : memref<128x128xf32, #tpu.memory_space<vmem>>) offsets(%arg15 : memref<128xi32, #tpu.memory_space<vmem>>) semaphore(%arg27 : memref<!tpu.dma_semaphore, #tpu.memory_space<semaphore_mem>>)
      } else {
      }
      %ge3A_170 = arith.constant 1 : i32
      %ge3A_171 = arith.cmpi sge, %add3A_147, %ge3A_170 : i32
      %sub3A_172 = arith.constant 1 : i32
      %sub3A_173 = arith.subi %add3A_147, %sub3A_172 : i32
      %lt3A_174 = arith.constant 200 : i32
      %lt3A_175 = arith.cmpi slt, %sub3A_173, %lt3A_174 : i32
      %and3A_176 = arith.andi %ge3A_171, %lt3A_175 : i1
      %convert_element_type3A_177 = arith.extui %and3A_176 : i1 to i32
      %cond3A_178 = arith.constant 0 : i32
      %cond3A_179 = arith.cmpi ne, %convert_element_type3A_177, %cond3A_178 : i32
      scf.if %cond3A_179 {
        %dma_wait3A_217 = arith.constant 0 : i32
        %dma_wait3A_218 = arith.constant 0 : i32
        %dma_wait3A_219 = tpu.memref_slice %arg8[%dma_wait3A_217, %dma_wait3A_218] : memref<6272x128xf32, #tpu.memory_space<vmem_shared>> -> memref<128x128xf32, #tpu.memory_space<vmem_shared>>
        %dma_wait3A_220 = arith.constant 0 : i32
        %dma_wait3A_221 = arith.constant 0 : i32
        %dma_wait3A_222 = tpu.memref_slice %arg8[%dma_wait3A_220, %dma_wait3A_221] : memref<6272x128xf32, #tpu.memory_space<vmem_shared>> -> memref<128x128xf32, #tpu.memory_space<vmem_shared>>
        tpu.wait_dma2 semaphore(%arg26 : memref<!tpu.dma_semaphore, #tpu.memory_space<semaphore_mem>>) src(%dma_wait3A_222 : memref<128x128xf32, #tpu.memory_space<vmem_shared>>) dst(%arg18 : memref<128x128xf32, #tpu.memory_space<vmem>>)
        %dma_start3A_223 = arith.constant 0 : i32
        %dma_start3A_224 = arith.constant 0 : i32
        %dma_start3A_225 = tpu.memref_slice %arg7[%dma_start3A_223, %dma_start3A_224] : memref<12544x128xf32, #tpu.memory_space<hbm>> -> memref<12544x128xf32, #tpu.memory_space<hbm>>
        tpu.enqueue_indirect_dma source(%dma_start3A_225 : memref<12544x128xf32, #tpu.memory_space<hbm>>) target(%arg18 : memref<128x128xf32, #tpu.memory_space<vmem>>) offsets(%arg10 : memref<128xi32, #tpu.memory_space<vmem>>) semaphore(%arg30 : memref<!tpu.dma_semaphore, #tpu.memory_space<semaphore_mem>>) {add = true}
      } else {
      }
      %mul3A_180 = arith.constant 4 : i32
      %mul3A_181 = arith.muli %mul3A_180, %scan3A_76 : i32
      %add3A_182 = arith.constant 3 : i32
      %add3A_183 = arith.addi %mul3A_181, %add3A_182 : i32
      %ge3A_184 = arith.constant 2 : i32
      %ge3A_185 = arith.cmpi sge, %add3A_183, %ge3A_184 : i32
      %sub3A_186 = arith.constant 2 : i32
      %sub3A_187 = arith.subi %add3A_183, %sub3A_186 : i32
      %lt3A_188 = arith.constant 200 : i32
      %lt3A_189 = arith.cmpi slt, %sub3A_187, %lt3A_188 : i32
      %and3A_190 = arith.andi %ge3A_185, %lt3A_189 : i1
      %convert_element_type3A_191 = arith.extui %and3A_190 : i1 to i32
      %cond3A_192 = arith.constant 0 : i32
      %cond3A_193 = arith.cmpi ne, %convert_element_type3A_191, %cond3A_192 : i32
      scf.if %cond3A_193 {
        %dma_wait3A_217 = arith.constant 0 : i32
        %dma_wait3A_218 = arith.constant 0 : i32
        %dma_wait3A_219 = tpu.memref_slice %arg7[%dma_wait3A_217, %dma_wait3A_218] : memref<12544x128xf32, #tpu.memory_space<hbm>> -> memref<128x128xf32, #tpu.memory_space<hbm>>
        %dma_wait3A_220 = arith.constant 0 : i32
        %dma_wait3A_221 = arith.constant 0 : i32
        %dma_wait3A_222 = tpu.memref_slice %arg7[%dma_wait3A_220, %dma_wait3A_221] : memref<12544x128xf32, #tpu.memory_space<hbm>> -> memref<128x128xf32, #tpu.memory_space<hbm>>
        tpu.wait_dma2 semaphore(%arg30 : memref<!tpu.dma_semaphore, #tpu.memory_space<semaphore_mem>>) src(%dma_wait3A_222 : memref<128x128xf32, #tpu.memory_space<hbm>>) dst(%arg18 : memref<128x128xf32, #tpu.memory_space<vmem>>)
        %sub3A_223 = arith.constant 2 : i32
        %sub3A_224 = arith.subi %add3A_183, %sub3A_223 : i32
        %mul3A_225 = arith.constant 128 : i32
        %mul3A_226 = arith.muli %sub3A_224, %mul3A_225 : i32
        %add3A_227 = arith.addi %mul3A_4, %mul3A_226 : i32
        %dma_start3A_228 = arith.constant 0 : i32
        %dma_start3A_229 = tpu.memref_slice %arg6[%add3A_227, %dma_start3A_228] : memref<819200x128xf32, #tpu.memory_space<hbm>> -> memref<128x128xf32, #tpu.memory_space<hbm>>
        %dma_start3A_230 = arith.constant 0 : i32
        %dma_start3A_231 = tpu.memref_slice %arg6[%add3A_227, %dma_start3A_230] : memref<819200x128xf32, #tpu.memory_space<hbm>> -> memref<128x128xf32, #tpu.memory_space<hbm>>
        tpu.enqueue_dma source(%arg18 : memref<128x128xf32, #tpu.memory_space<vmem>>) target(%dma_start3A_231 : memref<128x128xf32, #tpu.memory_space<hbm>>) target_semaphore(%arg34 : memref<!tpu.dma_semaphore, #tpu.memory_space<semaphore_mem>>)
      } else {
      }
      %add3A_194 = arith.constant 2 : i32
      %add3A_195 = arith.addi %add3A_183, %add3A_194 : i32
      %lt3A_196 = arith.constant 200 : i32
      %lt3A_197 = arith.cmpi slt, %add3A_195, %lt3A_196 : i32
      %convert_element_type3A_198 = arith.extui %lt3A_197 : i1 to i32
      %cond3A_199 = arith.constant 0 : i32
      %cond3A_200 = arith.cmpi ne, %convert_element_type3A_198, %cond3A_199 : i32
      scf.if %cond3A_200 {
        %add3A_217 = arith.constant 2 : i32
        %add3A_218 = arith.addi %add3A_183, %add3A_217 : i32
        %add3A_219 = arith.addi %mul3A_6, %add3A_218 : i32
        %dma_start3A_220 = arith.constant 0 : i32
        %dma_start3A_221 = tpu.memref_slice %arg2[%add3A_219, %dma_start3A_220] : memref<6400x128xi32, #tpu.memory_space<hbm>> -> memref<1x128xi32, #tpu.memory_space<hbm>>
        %dma_start3A_222 = tpu.memref_squeeze %dma_start3A_221 : memref<1x128xi32, #tpu.memory_space<hbm>> -> memref<128xi32, #tpu.memory_space<hbm>>
        %dma_start3A_223 = arith.constant 0 : i32
        %dma_start3A_224 = tpu.memref_slice %arg2[%add3A_219, %dma_start3A_223] : memref<6400x128xi32, #tpu.memory_space<hbm>> -> memref<1x128xi32, #tpu.memory_space<hbm>>
        %dma_start3A_225 = tpu.memref_squeeze %dma_start3A_224 : memref<1x128xi32, #tpu.memory_space<hbm>> -> memref<128xi32, #tpu.memory_space<hbm>>
        tpu.enqueue_dma source(%dma_start3A_225 : memref<128xi32, #tpu.memory_space<hbm>>) target(%arg10 : memref<128xi32, #tpu.memory_space<vmem>>) target_semaphore(%arg22 : memref<!tpu.dma_semaphore, #tpu.memory_space<semaphore_mem>>)
        %add3A_226 = arith.addi %mul3A_6, %add3A_218 : i32
        %dma_start3A_227 = arith.constant 0 : i32
        %dma_start3A_228 = tpu.memref_slice %arg3[%add3A_226, %dma_start3A_227] : memref<6400x128xi32, #tpu.memory_space<hbm>> -> memref<1x128xi32, #tpu.memory_space<hbm>>
        %dma_start3A_229 = tpu.memref_squeeze %dma_start3A_228 : memref<1x128xi32, #tpu.memory_space<hbm>> -> memref<128xi32, #tpu.memory_space<hbm>>
        %dma_start3A_230 = arith.constant 0 : i32
        %dma_start3A_231 = tpu.memref_slice %arg3[%add3A_226, %dma_start3A_230] : memref<6400x128xi32, #tpu.memory_space<hbm>> -> memref<1x128xi32, #tpu.memory_space<hbm>>
        %dma_start3A_232 = tpu.memref_squeeze %dma_start3A_231 : memref<1x128xi32, #tpu.memory_space<hbm>> -> memref<128xi32, #tpu.memory_space<hbm>>
        tpu.enqueue_dma source(%dma_start3A_232 : memref<128xi32, #tpu.memory_space<hbm>>) target(%arg14 : memref<128xi32, #tpu.memory_space<vmem>>) target_semaphore(%arg22 : memref<!tpu.dma_semaphore, #tpu.memory_space<semaphore_mem>>)
      } else {
      }
      %lt3A_201 = arith.constant 200 : i32
      %lt3A_202 = arith.cmpi slt, %add3A_183, %lt3A_201 : i32
      %convert_element_type3A_203 = arith.extui %lt3A_202 : i1 to i32
      %cond3A_204 = arith.constant 0 : i32
      %cond3A_205 = arith.cmpi ne, %convert_element_type3A_203, %cond3A_204 : i32
      scf.if %cond3A_205 {
        %ge3A_217 = arith.constant 4 : i32
        %ge3A_218 = arith.cmpi sge, %add3A_183, %ge3A_217 : i32
        %convert_element_type3A_219 = arith.extui %ge3A_218 : i1 to i32
        %cond3A_220 = arith.constant 0 : i32
        %cond3A_221 = arith.cmpi ne, %convert_element_type3A_219, %cond3A_220 : i32
        scf.if %cond3A_221 {
          %dma_wait3A_241 = arith.constant 0 : i32
          %dma_wait3A_242 = arith.constant 0 : i32
          %dma_wait3A_243 = tpu.memref_slice %arg6[%dma_wait3A_241, %dma_wait3A_242] : memref<819200x128xf32, #tpu.memory_space<hbm>> -> memref<128x128xf32, #tpu.memory_space<hbm>>
          %dma_wait3A_244 = arith.constant 0 : i32
          %dma_wait3A_245 = arith.constant 0 : i32
          %dma_wait3A_246 = tpu.memref_slice %arg6[%dma_wait3A_244, %dma_wait3A_245] : memref<819200x128xf32, #tpu.memory_space<hbm>> -> memref<128x128xf32, #tpu.memory_space<hbm>>
          tpu.wait_dma2 semaphore(%arg36 : memref<!tpu.dma_semaphore, #tpu.memory_space<semaphore_mem>>) src(%arg20 : memref<128x128xf32, #tpu.memory_space<vmem>>) dst(%dma_wait3A_246 : memref<128x128xf32, #tpu.memory_space<hbm>>)
        } else {
        }
        %dma_wait3A_222 = arith.constant 0 : i32
        %dma_wait3A_223 = arith.constant 0 : i32
        %dma_wait3A_224 = tpu.memref_slice %arg2[%dma_wait3A_222, %dma_wait3A_223] : memref<6400x128xi32, #tpu.memory_space<hbm>> -> memref<1x128xi32, #tpu.memory_space<hbm>>
        %dma_wait3A_225 = tpu.memref_squeeze %dma_wait3A_224 : memref<1x128xi32, #tpu.memory_space<hbm>> -> memref<128xi32, #tpu.memory_space<hbm>>
        %dma_wait3A_226 = arith.constant 0 : i32
        %dma_wait3A_227 = tpu.memref_slice %arg2[%dma_wait3A_222, %dma_wait3A_226] : memref<6400x128xi32, #tpu.memory_space<hbm>> -> memref<1x128xi32, #tpu.memory_space<hbm>>
        %dma_wait3A_228 = tpu.memref_squeeze %dma_wait3A_227 : memref<1x128xi32, #tpu.memory_space<hbm>> -> memref<128xi32, #tpu.memory_space<hbm>>
        tpu.wait_dma2 semaphore(%arg24 : memref<!tpu.dma_semaphore, #tpu.memory_space<semaphore_mem>>) src(%dma_wait3A_228 : memref<128xi32, #tpu.memory_space<hbm>>) dst(%arg12 : memref<128xi32, #tpu.memory_space<vmem>>)
        %dma_wait3A_229 = arith.constant 0 : i32
        %dma_wait3A_230 = arith.constant 0 : i32
        %dma_wait3A_231 = tpu.memref_slice %arg2[%dma_wait3A_229, %dma_wait3A_230] : memref<6400x128xi32, #tpu.memory_space<hbm>> -> memref<1x128xi32, #tpu.memory_space<hbm>>
        %dma_wait3A_232 = tpu.memref_squeeze %dma_wait3A_231 : memref<1x128xi32, #tpu.memory_space<hbm>> -> memref<128xi32, #tpu.memory_space<hbm>>
        %dma_wait3A_233 = arith.constant 0 : i32
        %dma_wait3A_234 = tpu.memref_slice %arg2[%dma_wait3A_229, %dma_wait3A_233] : memref<6400x128xi32, #tpu.memory_space<hbm>> -> memref<1x128xi32, #tpu.memory_space<hbm>>
        %dma_wait3A_235 = tpu.memref_squeeze %dma_wait3A_234 : memref<1x128xi32, #tpu.memory_space<hbm>> -> memref<128xi32, #tpu.memory_space<hbm>>
        tpu.wait_dma2 semaphore(%arg24 : memref<!tpu.dma_semaphore, #tpu.memory_space<semaphore_mem>>) src(%dma_wait3A_235 : memref<128xi32, #tpu.memory_space<hbm>>) dst(%arg16 : memref<128xi32, #tpu.memory_space<vmem>>)
        %parallel_loop3A = arith.constant 0 : i32
        %parallel_loop3A_236 = arith.constant 8 : i32
        %parallel_loop3A_237 = arith.constant 1 : i32
        scf.for %parallel_loop3A_241 = %parallel_loop3A to %parallel_loop3A_236 step %parallel_loop3A_237  : i32 {
          %parallel_loop3A_242 = arith.constant 16 : i32
          %parallel_loop3A_243 = arith.muli %parallel_loop3A_241, %parallel_loop3A_242 : i32
          %parallel_loop3A_244 = arith.index_cast %parallel_loop3A_243 : i32 to index
          %parallel_loop3A_245 = tpu.vector_load %arg12[%parallel_loop3A_244] {strides = array<i32>} : memref<128xi32, #tpu.memory_space<vmem>>, vector<16xi32>,
          %parallel_loop3A_246 = vector.shape_cast %parallel_loop3A_245 : vector<16xi32> to vector<16xi32>
          %parallel_loop3A_247 = vector.broadcast %mul3A_8 : i32 to vector<16xi32>
          %parallel_loop3A_248 = arith.addi %parallel_loop3A_246, %parallel_loop3A_247 : vector<16xi32>
          %parallel_loop3A_249 = arith.index_cast %parallel_loop3A_243 : i32 to index
          %parallel_loop3A_250 = tpu.vector_load %arg12[%parallel_loop3A_249] {strides = array<i32>} : memref<128xi32, #tpu.memory_space<vmem>>, vector<16xi32>,
          %parallel_loop3A_251 = vector.shape_cast %parallel_loop3A_250 : vector<16xi32> to vector<16xi32>
          %parallel_loop3A_252 = vector.shape_cast %parallel_loop3A_248 : vector<16xi32> to vector<16xi32>
          tpu.vector_store %arg12[%parallel_loop3A_249], %parallel_loop3A_252 {strides = array<i32>} : memref<128xi32, #tpu.memory_space<vmem>>, vector<16xi32>,
        } {sc.loop_unroll_factor = 1 : i64, sc.parallel_access}
        %dma_start3A_238 = arith.constant 0 : i32
        %dma_start3A_239 = arith.constant 0 : i32
        %dma_start3A_240 = tpu.memref_slice %arg8[%dma_start3A_238, %dma_start3A_239] : memref<6272x128xf32, #tpu.memory_space<vmem_shared>> -> memref<6272x128xf32, #tpu.memory_space<vmem_shared>>
        tpu.enqueue_indirect_dma source(%dma_start3A_240 : memref<6272x128xf32, #tpu.memory_space<vmem_shared>>) target(%arg20 : memref<128x128xf32, #tpu.memory_space<vmem>>) offsets(%arg16 : memref<128xi32, #tpu.memory_space<vmem>>) semaphore(%arg28 : memref<!tpu.dma_semaphore, #tpu.memory_space<semaphore_mem>>)
      } else {
      }
      %ge3A_206 = arith.constant 1 : i32
      %ge3A_207 = arith.cmpi sge, %add3A_183, %ge3A_206 : i32
      %sub3A_208 = arith.constant 1 : i32
      %sub3A_209 = arith.subi %add3A_183, %sub3A_208 : i32
      %lt3A_210 = arith.constant 200 : i32
      %lt3A_211 = arith.cmpi slt, %sub3A_209, %lt3A_210 : i32
      %and3A_212 = arith.andi %ge3A_207, %lt3A_211 : i1
      %convert_element_type3A_213 = arith.extui %and3A_212 : i1 to i32
      %cond3A_214 = arith.constant 0 : i32
      %cond3A_215 = arith.cmpi ne, %convert_element_type3A_213, %cond3A_214 : i32
      scf.if %cond3A_215 {
        %dma_wait3A_217 = arith.constant 0 : i32
        %dma_wait3A_218 = arith.constant 0 : i32
        %dma_wait3A_219 = tpu.memref_slice %arg8[%dma_wait3A_217, %dma_wait3A_218] : memref<6272x128xf32, #tpu.memory_space<vmem_shared>> -> memref<128x128xf32, #tpu.memory_space<vmem_shared>>
        %dma_wait3A_220 = arith.constant 0 : i32
        %dma_wait3A_221 = arith.constant 0 : i32
        %dma_wait3A_222 = tpu.memref_slice %arg8[%dma_wait3A_220, %dma_wait3A_221] : memref<6272x128xf32, #tpu.memory_space<vmem_shared>> -> memref<128x128xf32, #tpu.memory_space<vmem_shared>>
        tpu.wait_dma2 semaphore(%arg27 : memref<!tpu.dma_semaphore, #tpu.memory_space<semaphore_mem>>) src(%dma_wait3A_222 : memref<128x128xf32, #tpu.memory_space<vmem_shared>>) dst(%arg19 : memref<128x128xf32, #tpu.memory_space<vmem>>)
        %dma_start3A_223 = arith.constant 0 : i32
        %dma_start3A_224 = arith.constant 0 : i32
        %dma_start3A_225 = tpu.memref_slice %arg7[%dma_start3A_223, %dma_start3A_224] : memref<12544x128xf32, #tpu.memory_space<hbm>> -> memref<12544x128xf32, #tpu.memory_space<hbm>>
        tpu.enqueue_indirect_dma source(%dma_start3A_225 : memref<12544x128xf32, #tpu.memory_space<hbm>>) target(%arg19 : memref<128x128xf32, #tpu.memory_space<vmem>>) offsets(%arg11 : memref<128xi32, #tpu.memory_space<vmem>>) semaphore(%arg31 : memref<!tpu.dma_semaphore, #tpu.memory_space<semaphore_mem>>) {add = true}
      } else {
      }
      %scan3A_216 = arith.constant 0 : i32
      scf.yield %scan3A_216 : i32
    }
    %scan3A_52 = arith.constant 51 : i32
    %dma_wait3A = arith.constant 0 : i32
    %dma_wait3A_53 = arith.constant 0 : i32
    %dma_wait3A_54 = tpu.memref_slice %arg6[%dma_wait3A, %dma_wait3A_53] : memref<819200x128xf32, #tpu.memory_space<hbm>> -> memref<128x128xf32, #tpu.memory_space<hbm>>
    %dma_wait3A_55 = arith.constant 0 : i32
    %dma_wait3A_56 = arith.constant 0 : i32
    %dma_wait3A_57 = tpu.memref_slice %arg6[%dma_wait3A_55, %dma_wait3A_56] : memref<819200x128xf32, #tpu.memory_space<hbm>> -> memref<128x128xf32, #tpu.memory_space<hbm>>
    tpu.wait_dma2 semaphore(%arg33 : memref<!tpu.dma_semaphore, #tpu.memory_space<semaphore_mem>>) src(%arg17 : memref<128x128xf32, #tpu.memory_space<vmem>>) dst(%dma_wait3A_57 : memref<128x128xf32, #tpu.memory_space<hbm>>)
    %dma_wait3A_58 = arith.constant 0 : i32
    %dma_wait3A_59 = arith.constant 0 : i32
    %dma_wait3A_60 = tpu.memref_slice %arg6[%dma_wait3A_58, %dma_wait3A_59] : memref<819200x128xf32, #tpu.memory_space<hbm>> -> memref<128x128xf32, #tpu.memory_space<hbm>>
    %dma_wait3A_61 = arith.constant 0 : i32
    %dma_wait3A_62 = arith.constant 0 : i32
    %dma_wait3A_63 = tpu.memref_slice %arg6[%dma_wait3A_61, %dma_wait3A_62] : memref<819200x128xf32, #tpu.memory_space<hbm>> -> memref<128x128xf32, #tpu.memory_space<hbm>>
    tpu.wait_dma2 semaphore(%arg34 : memref<!tpu.dma_semaphore, #tpu.memory_space<semaphore_mem>>) src(%arg18 : memref<128x128xf32, #tpu.memory_space<vmem>>) dst(%dma_wait3A_63 : memref<128x128xf32, #tpu.memory_space<hbm>>)
    %dma_wait3A_64 = arith.constant 0 : i32
    %dma_wait3A_65 = arith.constant 0 : i32
    %dma_wait3A_66 = tpu.memref_slice %arg6[%dma_wait3A_64, %dma_wait3A_65] : memref<819200x128xf32, #tpu.memory_space<hbm>> -> memref<128x128xf32, #tpu.memory_space<hbm>>
    %dma_wait3A_67 = arith.constant 0 : i32
    %dma_wait3A_68 = arith.constant 0 : i32
    %dma_wait3A_69 = tpu.memref_slice %arg6[%dma_wait3A_67, %dma_wait3A_68] : memref<819200x128xf32, #tpu.memory_space<hbm>> -> memref<128x128xf32, #tpu.memory_space<hbm>>
    tpu.wait_dma2 semaphore(%arg35 : memref<!tpu.dma_semaphore, #tpu.memory_space<semaphore_mem>>) src(%arg19 : memref<128x128xf32, #tpu.memory_space<vmem>>) dst(%dma_wait3A_69 : memref<128x128xf32, #tpu.memory_space<hbm>>)
    %dma_wait3A_70 = arith.constant 0 : i32
    %dma_wait3A_71 = arith.constant 0 : i32
    %dma_wait3A_72 = tpu.memref_slice %arg6[%dma_wait3A_70, %dma_wait3A_71] : memref<819200x128xf32, #tpu.memory_space<hbm>> -> memref<128x128xf32, #tpu.memory_space<hbm>>
    %dma_wait3A_73 = arith.constant 0 : i32
    %dma_wait3A_74 = arith.constant 0 : i32
    %dma_wait3A_75 = tpu.memref_slice %arg6[%dma_wait3A_73, %dma_wait3A_74] : memref<819200x128xf32, #tpu.memory_space<hbm>> -> memref<128x128xf32, #tpu.memory_space<hbm>>
    tpu.wait_dma2 semaphore(%arg36 : memref<!tpu.dma_semaphore, #tpu.memory_space<semaphore_mem>>) src(%arg20 : memref<128x128xf32, #tpu.memory_space<vmem>>) dst(%dma_wait3A_75 : memref<128x128xf32, #tpu.memory_space<hbm>>)
    return
  }
}

</mosaic_0001>

<sc_bundles>
// kernel: kernel.3.cloned.1.call-start
scs
__scs_entry_jumppad:
0x0: {  	(pc) =	sbr.rel $0x88, $3  }
0x1: {  	(tag) =	ssettag $0x0;
	lr =	simm.s32 $0x1  }
0x2: {  	[smem:$0x3F9E] =	sst lr;
	_ =	strace $0xD0000000  }
0x3: {  	_ = 	snop  }
0x4: {  	_ = 	snop  }
0x5: {  	_ = 	snop  }
0x6: {  	_ = 	snop  }
0x7: {  	_ = 	snop  }
__scs_overlays_trampoline_lowered:
0x8: {  	[smem:$0x3FAD] =	sst s0  }
0x9: {  	[smem:$0x3FAE] =	sst s1  }
0xa: {  	[smem:$0x3FAF] =	sst s2  }
0xb: {  	[smem:$0x3FB0] =	sst s3  }
0xc: {  	[smem:$0x3FB1] =	sst s4  }
0xd: {  	[smem:$0x3FB2] =	sst s5  }
0xe: {  	[smem:$0x3FB3] =	sst s6  }
0xf: {  	[smem:$0x3FB4] =	sst s7  }
0x10: {  	[smem:$0x3FB5] =	sst s8  }
0x11: {  	[smem:$0x3FB6] =	sst s9;
	s0 =	simm.s32 @!p0 $0x0  }
0x12: {  	s1 =	sld [smem:$0x3F9C];
	s0 =	simm.s32 @p0 $0x1  }
0x13: {  	[smem:$0x3FB7] =	sst s0;
	s0 =	simm.s32 @!p1 $0x0  }
0x14: {  	s2 =	sld [smem:$0x3F9B];
	s0 =	simm.s32 @p1 $0x1  }
0x15: {  	[smem:$0x3FB8] =	sst s0;
	s0 =	simm.s32 @!p2 $0x0  }
0x16: {  	s3 =	sld [smem:$0x3FDB];
	s0 =	simm.s32 @p2 $0x1  }
0x17: {  	s4 =	simm.s32 $0x1BF5;
	[smem:$0x3FBA] =	sst s0  }
0x18: {  	s0 =	sld [smem:$0x3F9D];
	_ =	swait.ge [sflag:s4], $0x0  }
0x19: {  	s7 =	sld [smem:$0x3F9E]  }
0x1a: {  	s8 =	sadd.s32 $0xFFFFE003, lr  }
0x1b: {  	s9 =	sadd.s32 $0xFFFFFEF7, lr;
	s5 =	simm.s32 $0xFFFFFFFF;
	p2 =	slt.u32 s8, $0xFFFFF086  }
0x1c: {  	p1 =	slt.u32 s9, $0xF7A;
	s5 =	simm.s32 @!p2 $0x0  }
0x1d: {  	s5 =	simm.s32 @p1 $0x1;
	p0 =	seq.s32 s7, s2  }
0x1e: {  	s7 =	smul.u32 @!p0 $0xF7A, s2;
	p2 =	seq.s32 @!p0 s5, $0x0  }
0x1f: {  	s9 =	smul.u32 $0xF7A, s1;
	s8 =	simm.s32 @!p0 $0x1BF5;
	p2 =	por !p2, p0  }
0x20: {  	[sflag:s8] =	ssyncset.s32 @!p0 $0xFFFFF086;
	s6 =	sadd.s32 @!p0 s3, s7;
	s7 =	simm.s32 @!p0 $0x108  }
0x21: {  	s3 =	sadd.s32 s3, s9;
	s6 =	sadd.s32 @!p0 $0x88, s6;
	s7 =	simm.s32 @p2 $0x1082  }
0x22: {  	[simem:s7], [sflag:s8] =	dma.local @!p0 [hbm:s6], $0xF7A  }
0x23: {  	s9 =	sor.u32 $0xD0000000, s2;
	s6 =	simm.s32 $0x108;
	_ =	swait.ge @!p0 [sflag:s8], $0x0  }
0x24: {  	s3 =	sadd.s32 $0x88, s3;
	s6 =	simm.s32 @!p1 $0x1082;
	[sflag:s4] =	ssyncset.s32 $0xFFFFF086  }
0x25: {  	[simem:s6], [sflag:s4] =	dma.local [hbm:s3], $0xF7A  }
0x26: {  	[smem:$0x3F9E] =	sst s1;
	(tag) =	ssettag s2;
	_ =	strace s9  }
0x27: {  	s1 =	sld [smem:$0x3FAE]  }
0x28: {  	s2 =	sld [smem:$0x3FAF]  }
0x29: {  	s4 =	sld [smem:$0x3FB1]  }
0x2a: {  	p0 =	seq.s32 s5, $0x0;
	s5 =	sld [smem:$0x3FB2]  }
0x2b: {  	s6 =	sld [smem:$0x3FB3]  }
0x2c: {  	s7 =	sld [smem:$0x3FB4]  }
0x2d: {  	s3 =	simm.s32 $0x108;
	s8 =	sld [smem:$0x3FB5]  }
0x2e: {  	s3 =	simm.s32 @!p0 $0x1082;
	s9 =	sld [smem:$0x3FB6]  }
0x2f: {  	lr =	sadd.s32 s0, s3;
	s0 =	sld [smem:$0x3FAD]  }
0x30: {  	s3 =	sld [smem:$0x3FB0]  }
0x31: {  	[smem:$0x3FB9] =	sst s10  }
0x32: {  	s10 =	sld [smem:$0x3FB7];
	_ =	sdelay $0x3  }
0x33: {  	p0 =	seq.s32 s10, $0x1;
	s10 =	sld [smem:$0x3FB9];
	_ =	sdelay $0x3  }
0x34: {  	[smem:$0x3FB9] =	sst s10  }
0x35: {  	s10 =	sld [smem:$0x3FB8];
	_ =	sdelay $0x3  }
0x36: {  	p1 =	seq.s32 s10, $0x1;
	s10 =	sld [smem:$0x3FB9];
	_ =	sdelay $0x3  }
0x37: {  	[smem:$0x3FB9] =	sst s10  }
0x38: {  	s10 =	sld [smem:$0x3FBA]  }
0x39: {  	_ = 	snop;
	(pc) =	sbr.ind lr, $3  }
0x3a: {  	_ = 	snop  }
0x3b: {  	_ = 	snop  }
0x3c: {  	p2 =	seq.s32 s10, $0x1;
	s10 =	sld [smem:$0x3FB9]  }
0x3d: {  	_ =	shalt  }
0x3e: {  	_ =	shalt  }
0x3f: {  	_ =	shalt  }
0x40: {  	_ =	shalt  }
0x41: {  	_ =	shalt  }
0x42: {  	_ =	shalt  }
0x43: {  	_ =	shalt  }
0x44: {  	_ =	shalt  }
0x45: {  	_ =	shalt  }
0x46: {  	_ =	shalt  }
0x47: {  	_ =	shalt  }
0x48: {  	_ =	shalt  }
0x49: {  	_ =	shalt  }
0x4a: {  	_ =	shalt  }
0x4b: {  	_ =	shalt  }
0x4c: {  	_ =	shalt  }
0x4d: {  	_ =	shalt  }
0x4e: {  	_ =	shalt  }
0x4f: {  	_ =	shalt  }
0x50: {  	_ =	shalt  }
0x51: {  	_ =	shalt  }
0x52: {  	_ =	shalt  }
0x53: {  	_ =	shalt  }
0x54: {  	_ =	shalt  }
0x55: {  	_ =	shalt  }
0x56: {  	_ =	shalt  }
0x57: {  	_ =	shalt  }
0x58: {  	_ =	shalt  }
0x59: {  	_ =	shalt  }
0x5a: {  	_ =	shalt  }
0x5b: {  	_ =	shalt  }
0x5c: {  	_ =	shalt  }
0x5d: {  	_ =	shalt  }
0x5e: {  	_ =	shalt  }
0x5f: {  	_ =	shalt  }
0x60: {  	_ =	shalt  }
0x61: {  	_ =	shalt  }
0x62: {  	_ =	shalt  }
0x63: {  	_ =	shalt  }
0x64: {  	_ =	shalt  }
0x65: {  	_ =	shalt  }
0x66: {  	_ =	shalt  }
0x67: {  	_ =	shalt  }
0x68: {  	_ =	shalt  }
0x69: {  	_ =	shalt  }
0x6a: {  	_ =	shalt  }
0x6b: {  	_ =	shalt  }
0x6c: {  	_ =	shalt  }
0x6d: {  	_ =	shalt  }
0x6e: {  	_ =	shalt  }
0x6f: {  	_ =	shalt  }
0x70: {  	_ =	shalt  }
0x71: {  	_ =	shalt  }
0x72: {  	_ =	shalt  }
0x73: {  	_ =	shalt  }
0x74: {  	_ =	shalt  }
0x75: {  	_ =	shalt  }
0x76: {  	_ =	shalt  }
0x77: {  	_ =	shalt  }
0x78: {  	_ =	shalt  }
0x79: {  	_ =	shalt  }
0x7a: {  	_ =	shalt  }
0x7b: {  	_ =	shalt  }
0x7c: {  	_ =	shalt  }
0x7d: {  	_ =	shalt  }
0x7e: {  	_ =	shalt  }
0x7f: {  	_ =	shalt  }
0x80: {  	_ =	shalt  }
0x81: {  	_ =	shalt  }
0x82: {  	_ =	shalt  }
0x83: {  	_ =	shalt  }
0x84: {  	_ =	shalt  }
0x85: {  	_ =	shalt  }
0x86: {  	_ =	shalt  }
0x87: {  	_ =	shalt  }
.Lfunc_end0:
.L_simem_size_0:
called_computation_lowered:
.L_overlay_start_0:
0x88: {  	s2 =	sld [smem:$0x3FD9]  }
0x89: {  	s3 =	sld [smem:$0x3FFE];
	_ =	sdelay $0x1  }
0x8a: {  	s1 =	srdreg.scid  }
0x8b: {  	s0 =	sand.u32 $0x1, s1  }
0x8c: {  	s17 =	sshll.u32 s0, $0xA;
	s2 =	sadd.s32 s3, s2  }
0x8d: {  	s2 =	sadd.s32 s2, s17  }
0x8e: {  	[smem:$0x3FC5] =	sst s2  }
0x8f: {  	_ = 	snop  }
0x90: {  	s2 =	sld [smem:$0x3FD0];
	(tm) =	ssettm $0x1  }
0x91: {  	s18 =	sld [smem:$0x3FFB];
	_ =	sdelay $0x3  }
0x92: {  	_ =	strace s18  }
0x93: {  	s3 =	sld [smem:$0x3FFC];
	_ =	sdelay $0x3  }
0x94: {  	_ =	strace s3  }
0x95: {  	s3 =	sld [smem:$0x3FFD];
	_ =	sdelay $0x3  }
0x96: {  	_ =	strace s3  }
0x97: {  	_ =	strace $0x8FFFFFFF  }
0x98: {  	s19 =	sld [smem:$0x3FDB];
	_ =	sdelay $0x1  }
0x99: {  	s4 =	simm.s32 $_scs_section_size  }
0x9a: {  	s5 =	simm.s32 $_size__tile_overlayer_lowered;
	s6 =	simm.s32 $_tile_overlayer_lowered  }
0x9b: {  	s22 =	simm.s32 $0x1BFF;
	s21 =	sshll.u32 s6, $0x1;
	s3 =	sadd.s32 s4, s19  }
0x9c: {  	s7 =	simm.s32 $0x0;
	s20 =	sshll.u32 s5, $0x1;
	s5 =	sadd.s32 s21, s3  }
0x9d: {  	[timem:s7], [sflag:s22] =	dma.local [hbm:s5], s20  }
0x9e: {  	_ =	swait.ge [sflag:s22], s20  }
0x9f: {  	s4 =	ssub.s32 $0x0, s20;
	[sflag:s22] =	ssyncset.done $0x0  }
0xa0: {  	[sflag:s22] =	ssyncadd.s32 s4;
	_ =	sdelay $0x1  }
0xa1: {  	s23 =	simm.s32 $0x1B8B  }
0xa2: {  	_ =	swait.ge [sflag:s23], $0x1  }
0xa3: {  	[sflag:s23] =	ssyncset.done $0x0  }
0xa4: {  	s25 =	simm.s32 $0x1B8E;
	s24 =	sld [smem:$0x3FFE];
	[sflag:s23] =	ssyncadd.s32 $0xFFFFFFFF  }
0xa5: {  	s26 =	simm.s32 $execute0_lowered;
	[smem:$0x3FD2] =	sst s25  }
0xa6: {  	s5 =	sshll.u32 s26, $0x1;
	_ =	strace $0x80000046;
	[dreg:$0x1] =	wrdreg $0xFFFFFFFF  }
0xa7: {  	s28 =	simm.s32 $_size_execute0_lowered;
	s3 =	sadd.s32 s3, s5;
	[dreg:$0x0] =	wrdreg $0x0  }
0xa8: {  	s5 =	sshll.u32 s28, $0x1;
	[dreg:$0x2] =	wrdreg s3  }
0xa9: {  	[dreg:$0x3] =	wrdreg s5  }
0xaa: {  	[dreg:$0x4] =	wrdreg $0xC0  }
0xab: {  	_ =	task [dreg:s7], $0x5FFFF  }
0xac: {  	[dreg:$0x1] =	wrdreg $0xFFFFFFFF  }
0xad: {  	[dreg:$0x0] =	wrdreg $0x60  }
0xae: {  	[dreg:$0x2] =	wrdreg s24  }
0xaf: {  	[dreg:$0x3] =	wrdreg s2  }
0xb0: {  	[dreg:$0x4] =	wrdreg $0x0  }
0xb1: {  	[dreg:$0x5] =	wrdreg $0x9  }
0xb2: {  	_ =	task.clear_ibuf [dreg:s7], $0x6FFFF;
	_ =	strace $0x90000046  }
0xb3: {  	s29 =	simm.s32 $0x9;
	_ =	strace $0x80000048  }
0xb4: {  	_ =	swait.ge [sflag:s29], $0x1  }
0xb5: {  	[sflag:s29] =	ssyncadd.s32 $0xFFFFFFFF  }
0xb6: {  	_ =	strace $0x90000048  }
0xb7: {  	_ =	sfence  }
0xb8: {  	s30 =	sld [smem:$0x0];
	_ =	sdelay $0x2  }
0xb9: {  	s31 =	sshll.u32 s1, $0xD;
	s1 =	sshrl.u32 s1, $0x2  }
0xba: {  	s3 =	sand.u32 $0x4000, s31;
	s1 =	sadd.s32 s1, s30  }
0xbb: {  	s0 =	sor.u32 s3, s0;
	s1 =	sshll.u32 s1, $0x11  }
0xbc: {  	s0 =	sor.u32 s1, s0  }
0xbd: {  	s0 =	sadd.s32 $0x8F2B, s0  }
0xbe: {  	[sflag:s0] =	ssyncadd.remote.s32 $0x1  }
0xbf: {  	_ =	sfence.sel $0xFFFF  }
0xc0: {  	[dreg:$0x0] =	wrdreg $0xFFFFFFFF;
	(pc) =	sbr.abs _section_cstart, $3  }
0xc1: {  	[dreg:$0x1] =	wrdreg $0xFFFFFFFF  }
0xc2: {  	_ =	task.clear_ibuf [dreg:s7], $0x2FFFF;
	_ =	strace $0x9FFFFFFF  }
0xc3: {  	(tm) =	ssettm $0x7FFFFFFF  }
tec
execute0_lowered:
.L_overlay_start_1:
0x0: {  	(tag) =	ssettag $0x1  }
0x1: {  	s0 =	rddreg [dreg:$0x0]  }
0x2: {  	s10 =	rddreg [dreg:$0x1];
	s1 =	srdreg.scid  }
0x3: {  	s13 =	stileid.u32;
	s3 =	rddreg [dreg:$0x2]  }
0x4: {  	s4 =	simm.s32 $0x0;
	s15 =	simm.s32 $0x80;
	s16 =	simm.s32 $0x10800  }
0x5: {  	s30 =	simm.s32 $0x9;
	s31 =	simm.s32 $0x3;
	s28 =	simm.s32 $0xA  }
0x6: {  	s29 =	simm.s32 $0x4;
	s1 =	sand.u32 $0x1, s1;
	s2 =	sshll.u32 s13, $0x1  }
0x7: {  	[smem:$0x7FF] =	sst s4;
	s6 =	sadd.s32 $0xC00, s0;
	s8 =	smul.u32 $0x1880, s1  }
0x8: {  	s7 =	sadd.s32 $0x19C00, s0;
	s2 =	sor.u32 s1, s2;
	s18 =	smul.u32 $0xC4000, s1  }
0x9: {  	s9 =	sadd.s32 $0x32C00, s0;
	s19 =	sadd.s32 $0x4B400, s0;
	s5 =	smul.u32 $0xC8, s2  }
0xa: {  	s11 =	sadd.s32 $0x4B600, s0;
	_ =	strace $0x80000047;
	s20 =	smul.u32 $0xC80, s2  }
0xb: {  	[dreg:$0x4] =	wrdreg s9;
	s1 =	ssub.s32 $0x2, s1;
	s12 =	smul.u32 $0x320000, s2  }
0xc: {  	[dreg:$0x6] =	wrdreg s19;
	s21 =	sshrl.u32 s1, $0x1;
	s2 =	smul.u32 $0x64000, s2  }
0xd: {  	[dreg:$0x5] =	wrdreg s18;
	s0 =	ssub.s32 s1, s21;
	s21 =	simm.s32 $0x10  }
0xe: {  	s18 =	simm.s32 $0x5;
	v0 =	vmov s8;
	s8 =	simm.s32 $0x0;
	s22 =	sor.u32 $0x10, s20  }
0xf: {  	s14 =	sadd.s32 s6, s20;
	s9 =	sadd.s32 s7, s20;
	[dreg:$0x7] =	wrdreg s12  }
0x10: {  	s24 =	sor.u32 $0x4000, s12;
	s25 =	sadd.s32 s10, s2;
	[dreg:$0x8] =	wrdreg s14  }
0x11: {  	s0 =	smax.u32 s0, $0x1;
	s10 =	simm.s32 $0x14800;
	[dreg:$0x9] =	wrdreg s9  }
0x12: {  	s2 =	simm.s32 $0x1;
	s23 =	sadd.s32 s6, s22;
	[dreg:$0xc] =	wrdreg s24  }
.Ltmp0:
0x13: {  	s1 =	sadd.s32 s7, s22;
	[dreg:$0xd] =	wrdreg s0;
	(pc) =	sbr.rel .LBB2_1-.Ltmp0, $4  }
0x14: {  	s26 =	sadd.s32 $0xFFFFF000, s25;
	s20 =	sadd.s32 $0xFFFFF800, s25;
	[dreg:$0xa] =	wrdreg s23  }
0x15: {  	s22 =	simm.s32 $0x11;
	s24 =	simm.s32 $0x12;
	[dreg:$0xb] =	wrdreg s1  }
0x16: {  	s14 =	simm.s32 $0x2;
	s25 =	simm.s32 $0x6;
	[dreg:$0xe] =	wrdreg s26  }
0x17: {  	s23 =	simm.s32 $0xC800;
	s1 =	simm.s32 $0xF;
	s26 =	simm.s32 $0x7  }
.LBB2_22:
0x18: {  	s0 =	simm.s32 $0xD  }
0x19: {  	_ =	swait.ge [sflag:s0], $0x4000  }
0x1a: {  	[sflag:s0] =	ssyncset.done $0x0  }
0x1b: {  	s17 =	simm.s32 $0xE;
	[sflag:s0] =	ssyncadd.s32 $0xFFFFC000  }
0x1c: {  	_ =	swait.ge [sflag:s17], $0x4000  }
0x1d: {  	[sflag:s17] =	ssyncset.done $0x0  }
0x1e: {  	[sflag:s17] =	ssyncadd.s32 $0xFFFFC000  }
0x1f: {  	_ =	swait.ge [sflag:s1], $0x4000  }
0x20: {  	[sflag:s1] =	ssyncset.done $0x0  }
0x21: {  	[sflag:s1] =	ssyncadd.s32 $0xFFFFC000  }
0x22: {  	_ =	swait.ge [sflag:s21], $0x4000  }
0x23: {  	s8 =	rddreg [dreg:$0xf]  }
0x24: {  	s19 =	rddreg [dreg:$0xd];
	s8 =	sadd.s32 $0x1, s8  }
0x25: {  	p0 =	sne.s32 s8, s19  }
.Ltmp1:
0x26: {  	_ = 	snop;
	(pc) =	sbr.rel @!p0 .LBB2_23-.Ltmp1, $3  }
0x27: {  	_ =	sdelay $0x1  }
0x28: {  	[sflag:s21] =	ssyncset.done $0x0  }
0x29: {  	s13 =	stileid.u32;
	[sflag:s21] =	ssyncadd.s32 $0xFFFFC000  }
.LBB2_1:
0x2a: {  	[dreg:$0xf] =	wrdreg s8  }
0x2b: {  	s0 =	rddreg [dreg:$0x6];
	s19 =	simm.s32 $0x1C800  }
0x2c: {  	[tilespmem:s19], [sflag:$0x11] =	stream.linear.gather [hbm4b:s0+s4], $0x1, $0x38;
	[tilespmem:$0x1C880] =	vst v63  }
0x2d: {  	_ =	swait.ge [sflag:s22], $0x1  }
0x2e: {  	[sflag:s22] =	ssyncset.done $0x0  }
0x2f: {  	[sflag:s22] =	ssyncadd.s32 $0xFFFFFFFF  }
.Ltmp2:
0x30: {  	v1 =	vld.msk [tilespmem:$0x1C800 ss:$0x0], $0xffff;
	(pc) =	sbr.rel .LBB2_2-.Ltmp2, $2  }
0x31: {  	_ =	sdelay $0x2  }
0x32: {  	s0 =	simm.s32 $0x0  }
.LBB2_8:
0x33: {  	s0 =	sadd.s32 $0x1, s0  }
0x34: {  	p0 =	sne.s32 s0, $0x4  }
.Ltmp3:
0x35: {  	_ = 	snop;
	(pc) =	sbr.rel @!p0 .LBB2_9-.Ltmp3, $1  }
0x36: {  	_ =	sdelay $0x3  }
.LBB2_2:
0x37: {  	s8 =	sshll.u32 s0, $0x4  }
0x38: {  	s12 =	sor.u32 s13, s8  }
0x39: {  	p0 =	sgt.u32 s12, $0x30  }
.Ltmp4:
0x3a: {  	_ = 	snop;
	(pc) =	sbr.rel @p0 .LBB2_8-.Ltmp4, $1  }
0x3b: {  	_ =	sdelay $0x3  }
0x3c: {  	s8 =	sshll.u32 s12, $0xB;
	s9 =	rddreg [dreg:$0x4]  }
0x3d: {  	s8 =	sadd.s32 s9, s8  }
0x3e: {  	[tilespmem:s23], [sflag:$0x12] =	stream.linear.gather [hbm4b:s8+s4], $0x4000, $0x38;
	[tilespmem:$0x1C880] =	vst v63  }
0x3f: {  	_ =	swait.ge [sflag:s24], $0x4000  }
0x40: {  	[sflag:s24] =	ssyncset.done $0x0  }
0x41: {  	s8 =	simm.s32 $0xC880;
	[sflag:s24] =	ssyncadd.s32 $0xFFFFC000  }
0x42: {  	v2 =	vld [tilespmem:s8+$0x70]  }
0x43: {  	v3 =	vld [tilespmem:s8+$0xFFFFFF90]  }
0x44: {  	v4 =	vld [tilespmem:s8+$0xFFFFFFA0]  }
0x45: {  	v5 =	vld [tilespmem:s8+$0xFFFFFFB0]  }
0x46: {  	v6 =	vld [tilespmem:s8+$0xFFFFFFC0]  }
0x47: {  	v7 =	vld [tilespmem:s8+$0xFFFFFFD0];
	v2 =	vmul.f32 v2, v1  }
0x48: {  	v8 =	vld [tilespmem:s8+$0xFFFFFFE0];
	v3 =	vmul.f32 v3, v1  }
0x49: {  	v9 =	vld [tilespmem:s8+$0xFFFFFFF0];
	v4 =	vmul.f32 v4, v1;
	[tilespmem:s8+$0x70] =	vst v2  }
0x4a: {  	[tilespmem:s8+$0xFFFFFF90] =	vst v3;
	v2 =	vmul.f32 v5, v1;
	v5 =	vld [tilespmem:s8+$0x0]  }
0x4b: {  	[tilespmem:s8+$0xFFFFFFA0] =	vst v4;
	v3 =	vmul.f32 v6, v1;
	v6 =	vld [tilespmem:s8+$0x10]  }
0x4c: {  	v10 =	vld [tilespmem:s8+$0x20];
	v4 =	vmul.f32 v7, v1;
	[tilespmem:s8+$0xFFFFFFB0] =	vst v2  }
0x4d: {  	v7 =	vmul.f32 v8, v1;
	[tilespmem:s8+$0xFFFFFFC0] =	vst v3;
	v2 =	vld [tilespmem:s8+$0x30]  }
0x4e: {  	v8 =	vmul.f32 v9, v1;
	[tilespmem:s8+$0xFFFFFFD0] =	vst v4;
	v3 =	vld [tilespmem:s8+$0x40]  }
0x4f: {  	[tilespmem:s8+$0xFFFFFFE0] =	vst v7;
	v4 =	vld [tilespmem:s8+$0x50];
	v9 =	vmul.f32 v5, v1  }
0x50: {  	[tilespmem:s8+$0xFFFFFFF0] =	vst v8;
	v5 =	vld [tilespmem:s8+$0x60];
	v7 =	vmul.f32 v6, v1  }
0x51: {  	s17 =	simm.s32 $0xC980;
	s9 =	simm.s32 $0x0;
	v8 =	vmul.f32 v10, v1;
	v6 =	vld [tilespmem:s8+$0xFFFFFF80];
	[tilespmem:s8+$0x0] =	vst v9  }
.LBB2_4:
0x52: {  	v9 =	vld [tilespmem:s17+$0x70];
	s9 =	sadd.s32 $0x2, s9;
	[tilespmem:s8+$0x10] =	vst v7;
	v2 =	vmul.f32 v2, v1  }
0x53: {  	v7 =	vld [tilespmem:s17+$0xFFFFFF90];
	p0 =	slt.u32 s9, $0x7E;
	[tilespmem:s8+$0x20] =	vst v8;
	v3 =	vmul.f32 v3, v1  }
0x54: {  	v8 =	vld [tilespmem:s17+$0xFFFFFFA0];
	[tilespmem:s8+$0x30] =	vst v2;
	v2 =	vmul.f32 v4, v1  }
0x55: {  	v4 =	vld [tilespmem:s17+$0xFFFFFFB0];
	[tilespmem:s8+$0x40] =	vst v3;
	v3 =	vmul.f32 v5, v1  }
0x56: {  	v5 =	vld [tilespmem:s17+$0xFFFFFFC0];
	v6 =	vmul.f32 v6, v1;
	[tilespmem:s8+$0x50] =	vst v2  }
0x57: {  	v2 =	vld [tilespmem:s17+$0xFFFFFFD0];
	v9 =	vmul.f32 v9, v1;
	[tilespmem:s8+$0x60] =	vst v3  }
0x58: {  	v3 =	vmul.f32 v7, v1;
	v7 =	vld [tilespmem:s17+$0xFFFFFFE0];
	[tilespmem:s8+$0xFFFFFF80] =	vst v6;
	s8 =	smov.u32 s17  }
0x59: {  	v6 =	vmul.f32 v8, v1;
	v8 =	vld [tilespmem:s17+$0xFFFFFFF0];
	[tilespmem:s17+$0x70] =	vst v9  }
0x5a: {  	[tilespmem:s17+$0xFFFFFF90] =	vst v3;
	v3 =	vmul.f32 v4, v1;
	v4 =	vld [tilespmem:s17+$0x0]  }
0x5b: {  	[tilespmem:s17+$0xFFFFFFA0] =	vst v6;
	v5 =	vmul.f32 v5, v1;
	v6 =	vld [tilespmem:s17+$0x10]  }
0x5c: {  	[tilespmem:s17+$0xFFFFFFB0] =	vst v3;
	v3 =	vmul.f32 v2, v1;
	v9 =	vld [tilespmem:s17+$0x20]  }
.Ltmp5:
0x5d: {  	[tilespmem:s17+$0xFFFFFFC0] =	vst v5;
	v5 =	vmul.f32 v7, v1;
	v2 =	vld [tilespmem:s17+$0x30];
	(pc) =	sbr.rel @p0 .LBB2_4-.Ltmp5, $4  }
0x5e: {  	[tilespmem:s17+$0xFFFFFFD0] =	vst v3;
	v7 =	vmul.f32 v8, v1;
	v3 =	vld [tilespmem:s17+$0x40]  }
0x5f: {  	[tilespmem:s17+$0xFFFFFFE0] =	vst v5;
	v8 =	vmul.f32 v4, v1;
	v4 =	vld [tilespmem:s17+$0x50]  }
0x60: {  	[tilespmem:s17+$0xFFFFFFF0] =	vst v7;
	v7 =	vmul.f32 v6, v1;
	v5 =	vld [tilespmem:s17+$0x60]  }
0x61: {  	s17 =	sadd.s32 $0x100, s17;
	v6 =	vld [tilespmem:s8+$0xFFFFFF80];
	[tilespmem:s8+$0x0] =	vst v8;
	v8 =	vmul.f32 v9, v1  }
0x62: {  	[tilespmem:s8+$0x10] =	vst v7;
	v2 =	vmul.f32 v2, v1  }
0x63: {  	[tilespmem:s8+$0x20] =	vst v8;
	v3 =	vmul.f32 v3, v1  }
0x64: {  	[tilespmem:s8+$0x30] =	vst v2;
	v2 =	vmul.f32 v4, v1  }
0x65: {  	[tilespmem:s8+$0x40] =	vst v3;
	v3 =	vmul.f32 v5, v1  }
0x66: {  	s12 =	sshll.u32 s12, $0xE;
	v4 =	vmul.f32 v6, v1;
	[tilespmem:s8+$0x50] =	vst v2  }
0x67: {  	s9 =	sand.u32 $0x3FFFC000, s12;
	[tilespmem:s8+$0x60] =	vst v3  }
0x68: {  	s19 =	sadd.s32 s9, s3;
	[tilespmem:s8+$0xFFFFFF80] =	vst v4  }
0x69: {  	[spmem:s19] =	stream.linear.scatter [tilespmem:s23], [sflag:$0x12], $0x4000, $0x38;
	[tilespmem:$0x1C880] =	vst v63  }
0x6a: {  	_ =	swait.ge [sflag:s24], $0x4000  }
0x6b: {  	[sflag:s24] =	ssyncset.done $0x0  }
0x6c: {  	s8 =	simm.s32 $0xC880;
	[sflag:s24] =	ssyncadd.s32 $0xFFFFC000  }
0x6d: {  	v2 =	vld [tilespmem:s8+$0x70]  }
0x6e: {  	v3 =	vld [tilespmem:s8+$0xFFFFFF90]  }
0x6f: {  	v4 =	vld [tilespmem:s8+$0xFFFFFFA0]  }
0x70: {  	v5 =	vld [tilespmem:s8+$0xFFFFFFB0]  }
0x71: {  	v6 =	vld [tilespmem:s8+$0xFFFFFFC0]  }
0x72: {  	v7 =	vld [tilespmem:s8+$0xFFFFFFD0];
	v2 =	vsub.f32 $0.0e+00, v2  }
0x73: {  	v8 =	vld [tilespmem:s8+$0xFFFFFFE0];
	v3 =	vsub.f32 $0.0e+00, v3  }
0x74: {  	v9 =	vld [tilespmem:s8+$0xFFFFFFF0];
	v4 =	vsub.f32 $0.0e+00, v4;
	[tilespmem:s8+$0x70] =	vst v2  }
0x75: {  	[tilespmem:s8+$0xFFFFFF90] =	vst v3;
	v2 =	vsub.f32 $0.0e+00, v5;
	v5 =	vld [tilespmem:s8+$0x0]  }
0x76: {  	[tilespmem:s8+$0xFFFFFFA0] =	vst v4;
	v3 =	vsub.f32 $0.0e+00, v6;
	v6 =	vld [tilespmem:s8+$0x10]  }
0x77: {  	v10 =	vld [tilespmem:s8+$0x20];
	v4 =	vsub.f32 $0.0e+00, v7;
	[tilespmem:s8+$0xFFFFFFB0] =	vst v2  }
0x78: {  	v7 =	vsub.f32 $0.0e+00, v8;
	[tilespmem:s8+$0xFFFFFFC0] =	vst v3;
	v2 =	vld [tilespmem:s8+$0x30]  }
0x79: {  	v8 =	vsub.f32 $0.0e+00, v9;
	[tilespmem:s8+$0xFFFFFFD0] =	vst v4;
	v3 =	vld [tilespmem:s8+$0x40]  }
0x7a: {  	[tilespmem:s8+$0xFFFFFFE0] =	vst v7;
	v4 =	vld [tilespmem:s8+$0x50];
	v9 =	vsub.f32 $0.0e+00, v5  }
0x7b: {  	[tilespmem:s8+$0xFFFFFFF0] =	vst v8;
	v5 =	vld [tilespmem:s8+$0x60];
	v7 =	vsub.f32 $0.0e+00, v6  }
0x7c: {  	s17 =	simm.s32 $0xC980;
	s9 =	simm.s32 $0x0;
	v8 =	vsub.f32 $0.0e+00, v10;
	v6 =	vld [tilespmem:s8+$0xFFFFFF80];
	[tilespmem:s8+$0x0] =	vst v9  }
.LBB2_6:
0x7d: {  	v9 =	vld [tilespmem:s17+$0x70];
	s9 =	sadd.s32 $0x2, s9;
	[tilespmem:s8+$0x10] =	vst v7;
	v2 =	vsub.f32 $0.0e+00, v2  }
0x7e: {  	v7 =	vld [tilespmem:s17+$0xFFFFFF90];
	p0 =	slt.u32 s9, $0x7E;
	[tilespmem:s8+$0x20] =	vst v8;
	v3 =	vsub.f32 $0.0e+00, v3  }
0x7f: {  	v8 =	vld [tilespmem:s17+$0xFFFFFFA0];
	[tilespmem:s8+$0x30] =	vst v2;
	v2 =	vsub.f32 $0.0e+00, v4  }
0x80: {  	v4 =	vld [tilespmem:s17+$0xFFFFFFB0];
	[tilespmem:s8+$0x40] =	vst v3;
	v3 =	vsub.f32 $0.0e+00, v5  }
0x81: {  	v5 =	vld [tilespmem:s17+$0xFFFFFFC0];
	v6 =	vsub.f32 $0.0e+00, v6;
	[tilespmem:s8+$0x50] =	vst v2  }
0x82: {  	v2 =	vld [tilespmem:s17+$0xFFFFFFD0];
	v9 =	vsub.f32 $0.0e+00, v9;
	[tilespmem:s8+$0x60] =	vst v3  }
0x83: {  	v3 =	vsub.f32 $0.0e+00, v7;
	v7 =	vld [tilespmem:s17+$0xFFFFFFE0];
	[tilespmem:s8+$0xFFFFFF80] =	vst v6;
	s8 =	smov.u32 s17  }
0x84: {  	v6 =	vsub.f32 $0.0e+00, v8;
	v8 =	vld [tilespmem:s17+$0xFFFFFFF0];
	[tilespmem:s17+$0x70] =	vst v9  }
0x85: {  	[tilespmem:s17+$0xFFFFFF90] =	vst v3;
	v3 =	vsub.f32 $0.0e+00, v4;
	v4 =	vld [tilespmem:s17+$0x0]  }
0x86: {  	[tilespmem:s17+$0xFFFFFFA0] =	vst v6;
	v5 =	vsub.f32 $0.0e+00, v5;
	v6 =	vld [tilespmem:s17+$0x10]  }
0x87: {  	[tilespmem:s17+$0xFFFFFFB0] =	vst v3;
	v3 =	vsub.f32 $0.0e+00, v2;
	v9 =	vld [tilespmem:s17+$0x20]  }
.Ltmp6:
0x88: {  	[tilespmem:s17+$0xFFFFFFC0] =	vst v5;
	v5 =	vsub.f32 $0.0e+00, v7;
	v2 =	vld [tilespmem:s17+$0x30];
	(pc) =	sbr.rel @p0 .LBB2_6-.Ltmp6, $4  }
0x89: {  	[tilespmem:s17+$0xFFFFFFD0] =	vst v3;
	v7 =	vsub.f32 $0.0e+00, v8;
	v3 =	vld [tilespmem:s17+$0x40]  }
0x8a: {  	[tilespmem:s17+$0xFFFFFFE0] =	vst v5;
	v8 =	vsub.f32 $0.0e+00, v4;
	v4 =	vld [tilespmem:s17+$0x50]  }
0x8b: {  	[tilespmem:s17+$0xFFFFFFF0] =	vst v7;
	v7 =	vsub.f32 $0.0e+00, v6;
	v5 =	vld [tilespmem:s17+$0x60]  }
0x8c: {  	s17 =	sadd.s32 $0x100, s17;
	v6 =	vld [tilespmem:s8+$0xFFFFFF80];
	[tilespmem:s8+$0x0] =	vst v8;
	v8 =	vsub.f32 $0.0e+00, v9  }
0x8d: {  	[tilespmem:s8+$0x10] =	vst v7;
	v2 =	vsub.f32 $0.0e+00, v2  }
0x8e: {  	[tilespmem:s8+$0x20] =	vst v8;
	v3 =	vsub.f32 $0.0e+00, v3  }
0x8f: {  	[tilespmem:s8+$0x30] =	vst v2;
	v2 =	vsub.f32 $0.0e+00, v4  }
0x90: {  	[tilespmem:s8+$0x40] =	vst v3  }
0x91: {  	[tilespmem:s8+$0x50] =	vst v2  }
0x92: {  	v3 =	vsub.f32 $0.0e+00, v5;
	s9 =	rddreg [dreg:$0x5]  }
0x93: {  	v63 =	vsub.f32 $0.0e+00, v6;
	s9 =	sadd.s32 s9, s12  }
0x94: {  	[tilespmem:s8+$0x60] =	vst v3;
	s9 =	sshrl.u32 s9, $0x3  }
.Ltmp7:
0x95: {  	[tilespmem:s8+$0xFFFFFF80] =	vst v63;
	s19 =	sadd.s32 s11, s9;
	(pc) =	sbr.rel .LBB2_8-.Ltmp7, $4  }
0x96: {  	[hbm4b:s19+s4] =	stream.linear.scatter [tilespmem:s23], [sflag:$0x11], $0x4000, $0x38;
	[tilespmem:$0x1C880] =	vst v63  }
0x97: {  	_ =	swait.ge [sflag:s22], $0x4000  }
0x98: {  	[sflag:s22] =	ssyncset.done $0x0  }
0x99: {  	[sflag:s22] =	ssyncadd.s32 $0xFFFFC000  }
.LBB2_9:
0x9a: {  	[bflag:$0x0] =	sbarrier.arrive $0xFFFF  }
0x9b: {  	s0 =	simm.s32 $0x0;
	s9 =	simm.s32 $0xC400;
	s8 =	rddreg [dreg:$0x8]  }
0x9c: {  	[tilespmem:s9], [sflag:$0x1] =	stream.linear.gather [hbm4b:s8+s0], $0x80, $0x38;
	[tilespmem:$0x1C880] =	vst v63  }
0x9d: {  	s19 =	simm.s32 $0xC600;
	s17 =	rddreg [dreg:$0x9]  }
0x9e: {  	[tilespmem:s19], [sflag:$0x1] =	stream.linear.gather [hbm4b:s17+s0], $0x80, $0x38;
	[tilespmem:$0x1C880] =	vst v63  }
0x9f: {  	s13 =	simm.s32 $0xC480;
	s12 =	rddreg [dreg:$0xa]  }
0xa0: {  	[tilespmem:s13], [sflag:$0x2] =	stream.linear.gather [hbm4b:s12+s0], $0x80, $0x38;
	[tilespmem:$0x1C880] =	vst v63  }
0xa1: {  	s17 =	rddreg [dreg:$0xb];
	s19 =	simm.s32 $0xC680  }
0xa2: {  	[tilespmem:s19], [sflag:$0x2] =	stream.linear.gather [hbm4b:s17+s0], $0x80, $0x38;
	[tilespmem:$0x1C880] =	vst v63  }
.LBB2_10:
0xa3: {  	s12 =	sshll.u32 s0, $0x2  }
0xa4: {  	s8 =	sadd.s32 $0xFFFFFFFC, s12  }
0xa5: {  	p0 =	sgt.u32 s8, $0xC7  }
0xa6: {  	p1 =	seq.s32 s0, $0x32;
	s8 =	simm.s32 @!p0 $0xB  }
.Ltmp8:
0xa7: {  	_ =	swait.ge @!p0 [sflag:s8], $0x4000;
	(pc) =	sbr.rel @p1 .LBB2_14-.Ltmp8, $4  }
0xa8: {  	[sflag:s8] =	ssyncset.done @!p0 $0x0  }
0xa9: {  	s9 =	rddreg [dreg:$0xe];
	[sflag:s8] =	ssyncadd.s32 @!p0 $0xFFFFC000;
	s8 =	sshll.u32 @!p0 s0, $0xD  }
0xaa: {  	s17 =	simm.s32 @!p0 $0x14800;
	s13 =	sadd.s32 @!p0 s9, s8;
	s9 =	simm.s32 @!p0 $0x0  }
0xab: {  	[hbm4b:s13+s9] =	stream.linear.scatter @!p0 [tilespmem:s17], [sflag:$0xF], $0x4000, $0x38;
	[tilespmem:$0x1C880] =	vst v63  }
0xac: {  	s13 =	sadd.s32 s5, s12  }
0xad: {  	s17 =	sshll.u32 s0, $0x6;
	s13 =	sshll.u32 s13, $0x4  }
0xae: {  	s17 =	sand.u32 $0x40, s17;
	s13 =	sand.u32 $0xFFFFF80, s13  }
0xaf: {  	s13 =	sor.u32 s13, s17  }
0xb0: {  	s13 =	sor.u32 $0x20, s13  }
0xb1: {  	s19 =	simm.s32 $0xC500;
	s17 =	sadd.s32 s6, s13  }
0xb2: {  	[tilespmem:s19], [sflag:$0x3] =	stream.linear.gather [hbm4b:s17+s4], $0x80, $0x38;
	[tilespmem:$0x1C880] =	vst v63  }
0xb3: {  	p2 =	seq.s32 s0, $0x0;
	s13 =	sadd.s32 s7, s13;
	s19 =	simm.s32 $0xC700  }
0xb4: {  	[tilespmem:s19], [sflag:$0x3] =	stream.linear.gather [hbm4b:s13+s4], $0x80, $0x38;
	[tilespmem:$0x1C880] =	vst v63  }
0xb5: {  	s13 =	simm.s32 @!p2 $0xD  }
0xb6: {  	_ =	swait.ge @!p2 [sflag:s13], $0x4000  }
0xb7: {  	[sflag:s13] =	ssyncset.done @!p2 $0x0  }
0xb8: {  	[sflag:s13] =	ssyncadd.s32 @!p2 $0xFFFFC000  }
0xb9: {  	_ =	swait.ge [sflag:s2], $0x80  }
0xba: {  	[sflag:s2] =	ssyncset.done $0x0  }
0xbb: {  	[sflag:s2] =	ssyncadd.s32 $0xFFFFFF80  }
0xbc: {  	_ =	swait.ge [sflag:s2], $0x80  }
0xbd: {  	[sflag:s2] =	ssyncset.done $0x0  }
0xbe: {  	s17 =	simm.s32 $0x0;
	[sflag:s2] =	ssyncadd.s32 $0xFFFFFF80  }
0xbf: {  	s13 =	simm.s32 $0x40;
	v1 =	vld [tilespmem:s17+$0xC400]  }
.LBB2_12:
0xc0: {  	p2 =	sne.s32 s13, $0x1C0  }
.Ltmp9:
0xc1: {  	_ = 	snop;
	(pc) =	sbr.rel @p2 .LBB2_12-.Ltmp9, $3  }
0xc2: {  	_ =	sdelay $0x1  }
0xc3: {  	s19 =	sshra.s32 s13, $0x2;
	s13 =	sadd.s32 $0x40, s13;
	v2 =	vadd.s32 v0, v1  }
0xc4: {  	v1 =	vld [tilespmem:s19+$0xC400];
	[tilespmem:s17+$0xC400] =	vst v2;
	s17 =	smov.u32 s19  }
0xc5: {  	_ =	sdelay $0x3  }
0xc6: {  	v1 =	vadd.s32 v0, v1  }
0xc7: {  	s13 =	simm.s32 $0xC600;
	[tilespmem:s17+$0xC400] =	vst v1  }
0xc8: {  	[tilespmem:s23], [sflag:$0x5] =	stream.indirect.gather [spmem:s3], $0x80, s13, s15, $0xb8;
	[tilespmem:$0x1C880] =	vst v63  }
.LBB2_14:
0xc9: {  	s13 =	simm.s32 @!p0 $0x8  }
0xca: {  	_ =	swait.ge @!p0 [sflag:s13], $0x4000  }
0xcb: {  	s17 =	simm.s32 @!p0 $0xC580;
	[sflag:s13] =	ssyncset.done @!p0 $0x0  }
0xcc: {  	s19 =	simm.s32 @!p0 $0x18800;
	[sflag:s13] =	ssyncadd.s32 @!p0 $0xFFFFC000;
	s13 =	simm.s32 @!p0 $0x80  }
0xcd: {  	[tilespmem:s19], [sflag:$0xC] =	stream.indirect.gather.add.f32 @!p0 [hbm:s11], $0x80, s17, s13, $0xb8;
	[tilespmem:$0x1C880] =	vst v63  }
.Ltmp10:
0xce: {  	s13 =	simm.s32 @!p0 $0xC;
	(pc) =	sbr.rel @p1 .LBB2_22-.Ltmp10, $4  }
0xcf: {  	_ =	swait.ge @!p0 [sflag:s13], $0x4000  }
0xd0: {  	[sflag:s13] =	ssyncset.done @!p0 $0x0  }
0xd1: {  	s8 =	sadd.s32 @!p0 s20, s8;
	[sflag:s13] =	ssyncadd.s32 @!p0 $0xFFFFC000  }
0xd2: {  	[hbm4b:s8+s9] =	stream.linear.scatter @!p0 [tilespmem:s19], [sflag:$0x10], $0x4000, $0x38;
	[tilespmem:$0x1C880] =	vst v63  }
0xd3: {  	s8 =	sadd.s32 s5, s12  }
0xd4: {  	s9 =	sshll.u32 s0, $0x6;
	s8 =	sshll.u32 s8, $0x4  }
0xd5: {  	s9 =	sand.u32 $0x40, s9;
	s8 =	sand.u32 $0xFFFFF80, s8  }
0xd6: {  	s8 =	sor.u32 s8, s9  }
0xd7: {  	s8 =	sor.u32 $0x30, s8  }
0xd8: {  	s13 =	simm.s32 $0xC580;
	s17 =	sadd.s32 s6, s8  }
0xd9: {  	[tilespmem:s13], [sflag:$0x4] =	stream.linear.gather [hbm4b:s17+s4], $0x80, $0x38;
	[tilespmem:$0x1C880] =	vst v63  }
0xda: {  	s19 =	simm.s32 $0xC780;
	p0 =	seq.s32 s0, $0x0;
	s8 =	sadd.s32 s7, s8  }
0xdb: {  	[tilespmem:s19], [sflag:$0x4] =	stream.linear.gather [hbm4b:s8+s4], $0x80, $0x38;
	[tilespmem:$0x1C880] =	vst v63  }
0xdc: {  	s8 =	simm.s32 @!p0 $0xE  }
0xdd: {  	_ =	swait.ge @!p0 [sflag:s8], $0x4000  }
0xde: {  	[sflag:s8] =	ssyncset.done @!p0 $0x0  }
0xdf: {  	[sflag:s8] =	ssyncadd.s32 @!p0 $0xFFFFC000  }
0xe0: {  	_ =	swait.ge [sflag:s14], $0x80  }
0xe1: {  	[sflag:s14] =	ssyncset.done $0x0  }
0xe2: {  	[sflag:s14] =	ssyncadd.s32 $0xFFFFFF80  }
0xe3: {  	_ =	swait.ge [sflag:s14], $0x80  }
0xe4: {  	[sflag:s14] =	ssyncset.done $0x0  }
0xe5: {  	s8 =	simm.s32 $0x0;
	[sflag:s14] =	ssyncadd.s32 $0xFFFFFF80  }
0xe6: {  	s9 =	simm.s32 $0x40;
	v1 =	vld [tilespmem:s8+$0xC480]  }
.LBB2_16:
0xe7: {  	p0 =	sne.s32 s9, $0x1C0  }
.Ltmp11:
0xe8: {  	_ = 	snop;
	(pc) =	sbr.rel @p0 .LBB2_16-.Ltmp11, $3  }
0xe9: {  	_ =	sdelay $0x1  }
0xea: {  	s13 =	sshra.s32 s9, $0x2;
	s9 =	sadd.s32 $0x40, s9;
	v2 =	vadd.s32 v0, v1  }
0xeb: {  	v1 =	vld [tilespmem:s13+$0xC480];
	[tilespmem:s8+$0xC480] =	vst v2;
	s8 =	smov.u32 s13  }
0xec: {  	_ =	sdelay $0x3  }
0xed: {  	v1 =	vadd.s32 v0, v1  }
0xee: {  	s17 =	simm.s32 $0xC680;
	[tilespmem:s8+$0xC480] =	vst v1  }
0xef: {  	[tilespmem:s16], [sflag:$0x6] =	stream.indirect.gather [spmem:s3], $0x80, s17, s15, $0xb8;
	[tilespmem:$0x1C880] =	vst v63  }
0xf0: {  	_ =	swait.ge [sflag:s18], $0x4000  }
0xf1: {  	[sflag:s18] =	ssyncset.done $0x0  }
0xf2: {  	s19 =	simm.s32 $0xC400;
	[sflag:s18] =	ssyncadd.s32 $0xFFFFC000  }
0xf3: {  	[tilespmem:s23], [sflag:$0x9] =	stream.indirect.gather.add.f32 [hbm:s11], $0x80, s19, s15, $0xb8;
	[tilespmem:$0x1C880] =	vst v63  }
0xf4: {  	_ =	swait.ge [sflag:s30], $0x4000  }
0xf5: {  	s8 =	sshll.u32 s0, $0x10;
	s9 =	rddreg [dreg:$0x7];
	[sflag:s30] =	ssyncset.done $0x0  }
0xf6: {  	s9 =	sadd.s32 s9, s8;
	[sflag:s30] =	ssyncadd.s32 $0xFFFFC000  }
0xf7: {  	s9 =	sshrl.u32 s9, $0x3;
	s13 =	rddreg [dreg:$0x1]  }
0xf8: {  	p0 =	sgt.u32 s0, $0x30;
	s9 =	sadd.s32 s13, s9  }
0xf9: {  	[hbm4b:s9+s4] =	stream.linear.scatter [tilespmem:s23], [sflag:$0xD], $0x4000, $0x38;
	[tilespmem:$0x1C880] =	vst v63  }
0xfa: {  	s9 =	sadd.s32 @!p0 $0x4, s12  }
0xfb: {  	s13 =	sadd.s32 @!p0 s5, s9  }
0xfc: {  	s9 =	sshll.u32 @!p0 s9, $0x4;
	s13 =	sshll.u32 @!p0 s13, $0x4  }
0xfd: {  	s9 =	sand.u32 @!p0 $0x40, s9;
	s13 =	sand.u32 @!p0 $0xFFFFF80, s13  }
0xfe: {  	p1 =	seq.s32 @!p0 s0, $0x0;
	s9 =	sor.u32 @!p0 s9, s13  }
0xff: {  	s17 =	simm.s32 @!p0 $0x0;
	s19 =	simm.s32 @!p0 $0xC400;
	s13 =	sadd.s32 @!p0 s6, s9  }
0x100: {  	[tilespmem:s19], [sflag:$0x1] =	stream.linear.gather @!p0 [hbm4b:s13+s17], $0x80, $0x38;
	[tilespmem:$0x1C880] =	vst v63  }
0x101: {  	p1 =	por p0, !p1;
	s9 =	sadd.s32 @!p0 s7, s9;
	s13 =	simm.s32 @!p0 $0xC600  }
0x102: {  	[tilespmem:s13], [sflag:$0x1] =	stream.linear.gather @!p0 [hbm4b:s9+s17], $0x80, $0x38;
	[tilespmem:$0x1C880] =	vst v63  }
0x103: {  	_ =	swait.ge @p1 [sflag:s1], $0x4000  }
0x104: {  	[sflag:s1] =	ssyncset.done @p1 $0x0  }
0x105: {  	[sflag:s1] =	ssyncadd.s32 @p1 $0xFFFFC000  }
0x106: {  	_ =	swait.ge [sflag:s31], $0x80  }
0x107: {  	[sflag:s31] =	ssyncset.done $0x0  }
0x108: {  	[sflag:s31] =	ssyncadd.s32 $0xFFFFFF80  }
0x109: {  	_ =	swait.ge [sflag:s31], $0x80  }
0x10a: {  	[sflag:s31] =	ssyncset.done $0x0  }
0x10b: {  	s9 =	simm.s32 $0x0;
	[sflag:s31] =	ssyncadd.s32 $0xFFFFFF80  }
0x10c: {  	s13 =	simm.s32 $0x40;
	v1 =	vld [tilespmem:s9+$0xC500]  }
.LBB2_18:
0x10d: {  	p2 =	sne.s32 s13, $0x1C0  }
.Ltmp12:
0x10e: {  	_ = 	snop;
	(pc) =	sbr.rel @p2 .LBB2_18-.Ltmp12, $3  }
0x10f: {  	_ =	sdelay $0x1  }
0x110: {  	s17 =	sshra.s32 s13, $0x2;
	s13 =	sadd.s32 $0x40, s13;
	v2 =	vadd.s32 v0, v1  }
0x111: {  	v1 =	vld [tilespmem:s17+$0xC500];
	[tilespmem:s9+$0xC500] =	vst v2;
	s9 =	smov.u32 s17  }
0x112: {  	_ =	sdelay $0x3  }
0x113: {  	v1 =	vadd.s32 v0, v1  }
0x114: {  	s19 =	simm.s32 $0xC700;
	[tilespmem:s9+$0xC500] =	vst v1  }
0x115: {  	[tilespmem:s10], [sflag:$0x7] =	stream.indirect.gather [spmem:s3], $0x80, s19, s15, $0xb8;
	[tilespmem:$0x1C880] =	vst v63  }
0x116: {  	_ =	swait.ge [sflag:s25], $0x4000  }
0x117: {  	[sflag:s25] =	ssyncset.done $0x0  }
0x118: {  	s13 =	simm.s32 $0xC480;
	[sflag:s25] =	ssyncadd.s32 $0xFFFFC000  }
0x119: {  	[tilespmem:s16], [sflag:$0xA] =	stream.indirect.gather.add.f32 [hbm:s11], $0x80, s13, s15, $0xb8;
	[tilespmem:$0x1C880] =	vst v63  }
0x11a: {  	_ =	swait.ge [sflag:s28], $0x4000  }
0x11b: {  	s17 =	rddreg [dreg:$0xc];
	[sflag:s28] =	ssyncset.done $0x0  }
0x11c: {  	s8 =	sadd.s32 s8, s17;
	[sflag:s28] =	ssyncadd.s32 $0xFFFFC000  }
0x11d: {  	s8 =	sshrl.u32 s8, $0x3;
	s19 =	rddreg [dreg:$0x1]  }
0x11e: {  	s8 =	sadd.s32 s19, s8  }
0x11f: {  	[hbm4b:s8+s4] =	stream.linear.scatter [tilespmem:s16], [sflag:$0xE], $0x4000, $0x38;
	[tilespmem:$0x1C880] =	vst v63  }
0x120: {  	s8 =	sadd.s32 @!p0 $0x5, s12  }
0x121: {  	s9 =	sadd.s32 @!p0 s5, s8  }
0x122: {  	s8 =	sshll.u32 @!p0 s8, $0x4;
	s9 =	sshll.u32 @!p0 s9, $0x4  }
0x123: {  	s8 =	sand.u32 @!p0 $0x50, s8;
	s9 =	sand.u32 @!p0 $0xFFFFF80, s9  }
0x124: {  	s8 =	sor.u32 @!p0 s8, s9  }
0x125: {  	s13 =	simm.s32 @!p0 $0xC480;
	s12 =	simm.s32 @!p0 $0x0;
	s9 =	sadd.s32 @!p0 s6, s8  }
0x126: {  	[tilespmem:s13], [sflag:$0x2] =	stream.linear.gather @!p0 [hbm4b:s9+s12], $0x80, $0x38;
	[tilespmem:$0x1C880] =	vst v63  }
0x127: {  	s8 =	sadd.s32 @!p0 s7, s8;
	s9 =	simm.s32 @!p0 $0xC680  }
0x128: {  	[tilespmem:s9], [sflag:$0x2] =	stream.linear.gather @!p0 [hbm4b:s8+s12], $0x80, $0x38;
	[tilespmem:$0x1C880] =	vst v63  }
0x129: {  	_ =	swait.ge @p1 [sflag:s21], $0x4000  }
0x12a: {  	[sflag:s21] =	ssyncset.done @p1 $0x0  }
0x12b: {  	[sflag:s21] =	ssyncadd.s32 @p1 $0xFFFFC000  }
0x12c: {  	_ =	swait.ge [sflag:s29], $0x80  }
0x12d: {  	[sflag:s29] =	ssyncset.done $0x0  }
0x12e: {  	[sflag:s29] =	ssyncadd.s32 $0xFFFFFF80  }
0x12f: {  	_ =	swait.ge [sflag:s29], $0x80  }
0x130: {  	[sflag:s29] =	ssyncset.done $0x0  }
0x131: {  	s8 =	simm.s32 $0x0;
	[sflag:s29] =	ssyncadd.s32 $0xFFFFFF80  }
0x132: {  	s9 =	simm.s32 $0x40;
	v1 =	vld [tilespmem:s8+$0xC580]  }
.LBB2_20:
0x133: {  	p0 =	sne.s32 s9, $0x1C0  }
.Ltmp13:
0x134: {  	_ = 	snop;
	(pc) =	sbr.rel @p0 .LBB2_20-.Ltmp13, $3  }
0x135: {  	_ =	sdelay $0x1  }
0x136: {  	s12 =	sshra.s32 s9, $0x2;
	s9 =	sadd.s32 $0x40, s9;
	v2 =	vadd.s32 v0, v1  }
0x137: {  	v1 =	vld [tilespmem:s12+$0xC580];
	[tilespmem:s8+$0xC580] =	vst v2;
	s8 =	smov.u32 s12  }
0x138: {  	_ =	sdelay $0x3  }
0x139: {  	s0 =	sadd.s32 $0x1, s0;
	v1 =	vadd.s32 v0, v1  }
0x13a: {  	s17 =	simm.s32 $0xC780;
	s9 =	simm.s32 $0x18800;
	p0 =	sne.s32 s0, $0x33;
	[tilespmem:s8+$0xC580] =	vst v1  }
0x13b: {  	[tilespmem:s9], [sflag:$0x8] =	stream.indirect.gather [spmem:s3], $0x80, s17, s15, $0xb8;
	[tilespmem:$0x1C880] =	vst v63  }
.Ltmp14:
0x13c: {  	_ = 	snop;
	(pc) =	sbr.rel @p0 .LBB2_10-.Ltmp14, $4  }
.Ltmp15:
0x13d: {  	_ =	swait.ge [sflag:s26], $0x4000;
	(pc) =	sbr.rel @!p0 .LBB2_22-.Ltmp15, $4  }
0x13e: {  	[sflag:s26] =	ssyncset.done $0x0  }
0x13f: {  	s19 =	simm.s32 $0xC500;
	[sflag:s26] =	ssyncadd.s32 $0xFFFFC000  }
0x140: {  	[tilespmem:s10], [sflag:$0xB] =	stream.indirect.gather.add.f32 [hbm:s11], $0x80, s19, s15, $0xb8;
	[tilespmem:$0x1C880] =	vst v63  }
0x141: {  	_ = 	snop  }
.LBB2_23:
0x142: {  	_ =	sfence.sel $0x180000  }
0x143: {  	[bflag:$0x0] =	sbarrier.arrive $0xFFFF  }
0x144: {  	_ =	strace $0x90000047  }
0x145: {  	[bflag:$0x2] =	sbarrier.arrive $0xFFFF  }
0x146: {  	p0 =	sne.s32 s13, $0x0;
	s0 =	rddreg [dreg:$0x3]  }
0x147: {  	s0 =	sadd.s32 @!p0 $0x100000, s0  }
0x148: {  	[sflag:s0] =	ssyncadd.tile.s32 @!p0 $0x1;
	_ =	shalt  }
.Lfunc_end2:
_tile_overlayer_lowered:
.L_overlay_start_2:
0x149: {  	(tag) =	ssettag $0x2  }
0x14a: {  	s0 =	rddreg [dreg:$0x0];
	s2 =	stileid.u32  }
0x14b: {  	s1 =	rddreg [dreg:$0x1];
	p0 =	sne.s32 s2, $0x0  }
0x14c: {  	s3 =	rddreg [dreg:$0x2];
	[bflag:$0x3] =	sbarrier.arrive $0xFFFF;
	s2 =	simm.s32 @!p0 $0x1C11  }
0x14d: {  	[timem:s3], [sflag:s2] =	dma.local @!p0 [hbm:s0], s1  }
0x14e: {  	s0 =	simm.s32 @!p0 $0x11  }
0x14f: {  	_ =	swait.ge @!p0 [sflag:s0], s1  }
0x150: {  	s1 =	ssub.s32 @!p0 $0x0, s1;
	[sflag:s0] =	ssyncset.done @!p0 $0x0  }
0x151: {  	[sflag:s0] =	ssyncadd.s32 @!p0 s1  }
0x152: {  	[bflag:$0x3] =	sbarrier.arrive $0xFFFF  }
0x153: {  	_ =	shalt  }

</sc_bundles>
